<compile_context>
chip_gen: v7x
topology: tpu7x:2x2x1
jax: 0.10.2.dev20260603
libtpu: 0.0.44.dev20260713+nightly
codegen_flags: <defaults>
</compile_context>

<pallas_src>
import functools

import jax
import jax.numpy as jnp
from jax import lax
from jax.experimental import pallas as pl
from jax.experimental.pallas import tpu as pltpu
from jax.experimental.pallas import tpu_sc as plsc

BATCH = 16384
EMBED_DIM = 32
NUM_CORES = 2
NUM_SUBCORES = 16
LANES = 16
NUM_WORKERS = NUM_CORES * NUM_SUBCORES
BW = BATCH // NUM_WORKERS
IDX_CHUNK = 128
N_CHUNKS = BW // IDX_CHUNK
GROUPS = BW // LANES

_mesh = plsc.VectorSubcoreMesh(core_axis_name="c", subcore_axis_name="s")


@functools.partial(
    pl.kernel,
    mesh=_mesh,
    out_type=jax.ShapeDtypeStruct((BATCH,), jnp.float32),
    compiler_params=pltpu.CompilerParams(
        needs_layout_passes=False, use_tc_tiling_on_sc=False),
    scratch_types=[
        pltpu.VMEM((BW,), jnp.int32),
        pltpu.VMEM((BW,), jnp.int32),
        pltpu.VMEM((BW, EMBED_DIM), jnp.float32),
        pltpu.VMEM((BW, EMBED_DIM), jnp.float32),
        pltpu.VMEM((BW,), jnp.float32),
        pltpu.VMEM((BW,), jnp.float32),
        pltpu.VMEM((BW,), jnp.float32),
        pltpu.SemaphoreType.DMA,
    ],
)
def _mf_sc_kernel(uid_hbm, iid_hbm, ue_hbm, ub_hbm, ie_hbm, ib_hbm, out_hbm,
                  uid_v, iid_v, p_v, q_v, pb_v, qb_v, out_v, sem):
    wid = lax.axis_index("s") * NUM_CORES + lax.axis_index("c")
    base = wid * BW

    pltpu.sync_copy(uid_hbm.at[pl.ds(base, BW)], uid_v)
    pltpu.sync_copy(iid_hbm.at[pl.ds(base, BW)], iid_v)

    copies = []
    for c in range(N_CHUNKS):
        s = pl.ds(c * IDX_CHUNK, IDX_CHUNK)
        copies.append(pltpu.async_copy(ue_hbm.at[uid_v.at[s]], p_v.at[s], sem))
        copies.append(pltpu.async_copy(ie_hbm.at[iid_v.at[s]], q_v.at[s], sem))
        copies.append(pltpu.async_copy(ub_hbm.at[uid_v.at[s]], pb_v.at[s], sem))
        copies.append(pltpu.async_copy(ib_hbm.at[iid_v.at[s]], qb_v.at[s], sem))
    for cp in copies:
        cp.wait()

    lanes = lax.iota(jnp.int32, LANES)

    def group_body(g, carry):
        rows = g * LANES + lanes
        acc = plsc.load_gather(pb_v, [rows])
        acc = acc + plsc.load_gather(qb_v, [rows])
        for d in range(EMBED_DIM):
            dcol = jnp.full((LANES,), d, jnp.int32)
            acc = acc + (plsc.load_gather(p_v, [rows, dcol])
                         * plsc.load_gather(q_v, [rows, dcol]))
        plsc.store_scatter(out_v, [rows], acc)
        return carry

    lax.fori_loop(0, GROUPS, group_body, 0)

    pltpu.sync_copy(out_v, out_hbm.at[pl.ds(base, BW)])


def kernel(user_id, item_id, user_embedding, user_bias, item_embedding, item_bias):
    uid = user_id.astype(jnp.int32)
    iid = item_id.astype(jnp.int32)
    return _mf_sc_kernel(uid, iid, user_embedding, user_bias.reshape(-1),
                         item_embedding, item_bias.reshape(-1))

# --- scband reference (transcript-rebuilt; emitter-appended) ---
"""Pipeline reference for scband-matrix-factorization-58171037057196 (READ-ONLY COPY).

The authoritative reference and input builder live on the scoring server;
editing this copy changes nothing except your own understanding.
"""

import jax, jax.numpy as jnp
import numpy as np

NUM_USERS = 1000000
NUM_ITEMS = 1000000
EMBED_DIM = 32
BATCH = 16384


def setup_inputs(seed: int = 0) -> dict:
    key = jax.random.key(seed)
    k1, k2, k3, k4, k5, k6 = jax.random.split(key, 6)
    user_id = jax.random.randint(k1, (BATCH,), 0, NUM_USERS, dtype=jnp.int64 if jax.config.jax_enable_x64 else jnp.int32)
    item_id = jax.random.randint(k2, (BATCH,), 0, NUM_ITEMS, dtype=jnp.int64 if jax.config.jax_enable_x64 else jnp.int32)
    # xavier_normal_ for Embedding weight [fan_out=num_emb? torch treats as 2D matrix]
    # torch xavier_normal std = sqrt(2/(fan_in+fan_out)) with fan_in=emb_dim(cols), fan_out=rows
    std_ue = float(np.sqrt(2.0 / (NUM_USERS + EMBED_DIM)))
    std_ub = float(np.sqrt(2.0 / (NUM_USERS + 1)))
    std_ie = float(np.sqrt(2.0 / (NUM_ITEMS + EMBED_DIM)))
    std_ib = float(np.sqrt(2.0 / (NUM_ITEMS + 1)))
    user_embedding = jax.random.normal(k3, (NUM_USERS, EMBED_DIM), dtype=jnp.float32) * std_ue
    user_bias = jax.random.normal(k4, (NUM_USERS, 1), dtype=jnp.float32) * std_ub
    item_embedding = jax.random.normal(k5, (NUM_ITEMS, EMBED_DIM), dtype=jnp.float32) * std_ie
    item_bias = jax.random.normal(k6, (NUM_ITEMS, 1), dtype=jnp.float32) * std_ib
    return {
        "user_id": user_id,
        "item_id": item_id,
        "user_embedding": user_embedding,
        "user_bias": user_bias,
        "item_embedding": item_embedding,
        "item_bias": item_bias,
    }


def reference(user_id, item_id, user_embedding, user_bias, item_embedding, item_bias):
    P = jnp.take(user_embedding, user_id, axis=0)
    P_bias = jnp.take(user_bias, user_id, axis=0).reshape(-1)
    Q = jnp.take(item_embedding, item_id, axis=0)
    Q_bias = jnp.take(item_bias, item_id, axis=0).reshape(-1)
    return (P * Q).sum(-1) + P_bias + Q_bias

if __name__ == "__main__":
    import jax
    _d = setup_inputs()
    print(jax.jit(kernel)(*tuple(_d.values())))

</pallas_src>

<mosaic_0001>
#map = affine_map<(d0, d1) -> (0)>
#map1 = affine_map<(d0, d1) -> (0, 0)>
module attributes {stable_mosaic.version = 14 : i64} {
  func.func @_mf_sc_kernel(%arg0: i32, %arg1: i32, %arg2: memref<16384xi32, #tpu.memory_space<hbm>>, %arg3: memref<16384xi32, #tpu.memory_space<hbm>>, %arg4: memref<1000000x32xf32, #tpu.memory_space<hbm>>, %arg5: memref<1000000xf32, #tpu.memory_space<hbm>>, %arg6: memref<1000000x32xf32, #tpu.memory_space<hbm>>, %arg7: memref<1000000xf32, #tpu.memory_space<hbm>>, %arg8: memref<16384xf32, #tpu.memory_space<hbm>>, %arg9: memref<512xi32, #tpu.memory_space<vmem>>, %arg10: memref<512xi32, #tpu.memory_space<vmem>>, %arg11: memref<512x32xf32, #tpu.memory_space<vmem>>, %arg12: memref<512x32xf32, #tpu.memory_space<vmem>>, %arg13: memref<512xf32, #tpu.memory_space<vmem>>, %arg14: memref<512xf32, #tpu.memory_space<vmem>>, %arg15: memref<512xf32, #tpu.memory_space<vmem>>, %arg16: memref<!tpu.dma_semaphore, #tpu.memory_space<semaphore_mem>>) attributes {dimension_semantics = [#tpu.dimension_semantics<core_parallel>, #tpu.dimension_semantics<subcore_parallel>], iteration_bounds = array<i64: 2, 16>, scalar_prefetch = 0 : i64, scratch_operands = 8 : i64, tpu.core_type = #tpu.core_type<sc_vector_subcore>, window_params = [{transform_indices = #map}, {transform_indices = #map}, {transform_indices = #map1}, {transform_indices = #map}, {transform_indices = #map1}, {transform_indices = #map}, {transform_indices = #map}]} {
    %mul3A = arith.constant 2 : i32
    %mul3A_0 = arith.muli %arg1, %mul3A : i32
    %add3A = arith.addi %mul3A_0, %arg0 : i32
    %mul3A_1 = arith.constant 512 : i32
    %mul3A_2 = arith.muli %add3A, %mul3A_1 : i32
    "tpu.region"() ({
      %run_scoped3A = tpu.sem_alloc : memref<!tpu.dma_semaphore, #tpu.memory_space<semaphore_mem>>
      %dma_start3A_230 = tpu.memref_slice %arg2[%mul3A_2] : memref<16384xi32, #tpu.memory_space<hbm>> -> memref<512xi32, #tpu.memory_space<hbm>>
      %dma_start3A_231 = tpu.memref_slice %arg2[%mul3A_2] : memref<16384xi32, #tpu.memory_space<hbm>> -> memref<512xi32, #tpu.memory_space<hbm>>
      tpu.enqueue_dma source(%dma_start3A_231 : memref<512xi32, #tpu.memory_space<hbm>>) target(%arg9 : memref<512xi32, #tpu.memory_space<vmem>>) target_semaphore(%run_scoped3A : memref<!tpu.dma_semaphore, #tpu.memory_space<semaphore_mem>>)
      %dma_wait3A_232 = tpu.memref_slice %arg2[%mul3A_2] : memref<16384xi32, #tpu.memory_space<hbm>> -> memref<512xi32, #tpu.memory_space<hbm>>
      %dma_wait3A_233 = tpu.memref_slice %arg2[%mul3A_2] : memref<16384xi32, #tpu.memory_space<hbm>> -> memref<512xi32, #tpu.memory_space<hbm>>
      tpu.wait_dma2 semaphore(%run_scoped3A : memref<!tpu.dma_semaphore, #tpu.memory_space<semaphore_mem>>) src(%dma_wait3A_233 : memref<512xi32, #tpu.memory_space<hbm>>) dst(%arg9 : memref<512xi32, #tpu.memory_space<vmem>>)
      tpu.yield
    }) : () -> ()
    "tpu.region"() ({
      %run_scoped3A = tpu.sem_alloc : memref<!tpu.dma_semaphore, #tpu.memory_space<semaphore_mem>>
      %dma_start3A_230 = tpu.memref_slice %arg3[%mul3A_2] : memref<16384xi32, #tpu.memory_space<hbm>> -> memref<512xi32, #tpu.memory_space<hbm>>
      %dma_start3A_231 = tpu.memref_slice %arg3[%mul3A_2] : memref<16384xi32, #tpu.memory_space<hbm>> -> memref<512xi32, #tpu.memory_space<hbm>>
      tpu.enqueue_dma source(%dma_start3A_231 : memref<512xi32, #tpu.memory_space<hbm>>) target(%arg10 : memref<512xi32, #tpu.memory_space<vmem>>) target_semaphore(%run_scoped3A : memref<!tpu.dma_semaphore, #tpu.memory_space<semaphore_mem>>)
      %dma_wait3A_232 = tpu.memref_slice %arg3[%mul3A_2] : memref<16384xi32, #tpu.memory_space<hbm>> -> memref<512xi32, #tpu.memory_space<hbm>>
      %dma_wait3A_233 = tpu.memref_slice %arg3[%mul3A_2] : memref<16384xi32, #tpu.memory_space<hbm>> -> memref<512xi32, #tpu.memory_space<hbm>>
      tpu.wait_dma2 semaphore(%run_scoped3A : memref<!tpu.dma_semaphore, #tpu.memory_space<semaphore_mem>>) src(%dma_wait3A_233 : memref<512xi32, #tpu.memory_space<hbm>>) dst(%arg10 : memref<512xi32, #tpu.memory_space<vmem>>)
      tpu.yield
    }) : () -> ()
    %dma_start3A = arith.constant 0 : i32
    %dma_start3A_3 = arith.constant 0 : i32
    %dma_start3A_4 = tpu.memref_slice %arg11[%dma_start3A, %dma_start3A_3] : memref<512x32xf32, #tpu.memory_space<vmem>> -> memref<128x32xf32, #tpu.memory_space<vmem>>
    %dma_start3A_5 = arith.constant 0 : i32
    %dma_start3A_6 = tpu.memref_slice %arg9[%dma_start3A_5] : memref<512xi32, #tpu.memory_space<vmem>> -> memref<128xi32, #tpu.memory_space<vmem>>
    %dma_start3A_7 = arith.constant 0 : i32
    %dma_start3A_8 = arith.constant 0 : i32
    %dma_start3A_9 = tpu.memref_slice %arg4[%dma_start3A_7, %dma_start3A_8] : memref<1000000x32xf32, #tpu.memory_space<hbm>> -> memref<1000000x32xf32, #tpu.memory_space<hbm>>
    tpu.enqueue_indirect_dma source(%dma_start3A_9 : memref<1000000x32xf32, #tpu.memory_space<hbm>>) target(%dma_start3A_4 : memref<128x32xf32, #tpu.memory_space<vmem>>) offsets(%dma_start3A_6 : memref<128xi32, #tpu.memory_space<vmem>>) semaphore(%arg16 : memref<!tpu.dma_semaphore, #tpu.memory_space<semaphore_mem>>)
    %dma_start3A_10 = arith.constant 0 : i32
    %dma_start3A_11 = arith.constant 0 : i32
    %dma_start3A_12 = tpu.memref_slice %arg12[%dma_start3A_10, %dma_start3A_11] : memref<512x32xf32, #tpu.memory_space<vmem>> -> memref<128x32xf32, #tpu.memory_space<vmem>>
    %dma_start3A_13 = arith.constant 0 : i32
    %dma_start3A_14 = tpu.memref_slice %arg10[%dma_start3A_13] : memref<512xi32, #tpu.memory_space<vmem>> -> memref<128xi32, #tpu.memory_space<vmem>>
    %dma_start3A_15 = arith.constant 0 : i32
    %dma_start3A_16 = arith.constant 0 : i32
    %dma_start3A_17 = tpu.memref_slice %arg6[%dma_start3A_15, %dma_start3A_16] : memref<1000000x32xf32, #tpu.memory_space<hbm>> -> memref<1000000x32xf32, #tpu.memory_space<hbm>>
    tpu.enqueue_indirect_dma source(%dma_start3A_17 : memref<1000000x32xf32, #tpu.memory_space<hbm>>) target(%dma_start3A_12 : memref<128x32xf32, #tpu.memory_space<vmem>>) offsets(%dma_start3A_14 : memref<128xi32, #tpu.memory_space<vmem>>) semaphore(%arg16 : memref<!tpu.dma_semaphore, #tpu.memory_space<semaphore_mem>>)
    %dma_start3A_18 = arith.constant 0 : i32
    %dma_start3A_19 = tpu.memref_slice %arg13[%dma_start3A_18] : memref<512xf32, #tpu.memory_space<vmem>> -> memref<128xf32, #tpu.memory_space<vmem>>
    %dma_start3A_20 = arith.constant 0 : i32
    %dma_start3A_21 = tpu.memref_slice %arg9[%dma_start3A_20] : memref<512xi32, #tpu.memory_space<vmem>> -> memref<128xi32, #tpu.memory_space<vmem>>
    %dma_start3A_22 = arith.constant 0 : i32
    %dma_start3A_23 = tpu.memref_slice %arg5[%dma_start3A_22] : memref<1000000xf32, #tpu.memory_space<hbm>> -> memref<1000000xf32, #tpu.memory_space<hbm>>
    tpu.enqueue_indirect_dma source(%dma_start3A_23 : memref<1000000xf32, #tpu.memory_space<hbm>>) target(%dma_start3A_19 : memref<128xf32, #tpu.memory_space<vmem>>) offsets(%dma_start3A_21 : memref<128xi32, #tpu.memory_space<vmem>>) semaphore(%arg16 : memref<!tpu.dma_semaphore, #tpu.memory_space<semaphore_mem>>)
    %dma_start3A_24 = arith.constant 0 : i32
    %dma_start3A_25 = tpu.memref_slice %arg14[%dma_start3A_24] : memref<512xf32, #tpu.memory_space<vmem>> -> memref<128xf32, #tpu.memory_space<vmem>>
    %dma_start3A_26 = arith.constant 0 : i32
    %dma_start3A_27 = tpu.memref_slice %arg10[%dma_start3A_26] : memref<512xi32, #tpu.memory_space<vmem>> -> memref<128xi32, #tpu.memory_space<vmem>>
    %dma_start3A_28 = arith.constant 0 : i32
    %dma_start3A_29 = tpu.memref_slice %arg7[%dma_start3A_28] : memref<1000000xf32, #tpu.memory_space<hbm>> -> memref<1000000xf32, #tpu.memory_space<hbm>>
    tpu.enqueue_indirect_dma source(%dma_start3A_29 : memref<1000000xf32, #tpu.memory_space<hbm>>) target(%dma_start3A_25 : memref<128xf32, #tpu.memory_space<vmem>>) offsets(%dma_start3A_27 : memref<128xi32, #tpu.memory_space<vmem>>) semaphore(%arg16 : memref<!tpu.dma_semaphore, #tpu.memory_space<semaphore_mem>>)
    %dma_start3A_30 = arith.constant 128 : i32
    %dma_start3A_31 = arith.constant 0 : i32
    %dma_start3A_32 = tpu.memref_slice %arg11[%dma_start3A_30, %dma_start3A_31] : memref<512x32xf32, #tpu.memory_space<vmem>> -> memref<128x32xf32, #tpu.memory_space<vmem>>
    %dma_start3A_33 = arith.constant 128 : i32
    %dma_start3A_34 = tpu.memref_slice %arg9[%dma_start3A_33] : memref<512xi32, #tpu.memory_space<vmem>> -> memref<128xi32, #tpu.memory_space<vmem>>
    %dma_start3A_35 = arith.constant 0 : i32
    %dma_start3A_36 = arith.constant 0 : i32
    %dma_start3A_37 = tpu.memref_slice %arg4[%dma_start3A_35, %dma_start3A_36] : memref<1000000x32xf32, #tpu.memory_space<hbm>> -> memref<1000000x32xf32, #tpu.memory_space<hbm>>
    tpu.enqueue_indirect_dma source(%dma_start3A_37 : memref<1000000x32xf32, #tpu.memory_space<hbm>>) target(%dma_start3A_32 : memref<128x32xf32, #tpu.memory_space<vmem>>) offsets(%dma_start3A_34 : memref<128xi32, #tpu.memory_space<vmem>>) semaphore(%arg16 : memref<!tpu.dma_semaphore, #tpu.memory_space<semaphore_mem>>)
    %dma_start3A_38 = arith.constant 128 : i32
    %dma_start3A_39 = arith.constant 0 : i32
    %dma_start3A_40 = tpu.memref_slice %arg12[%dma_start3A_38, %dma_start3A_39] : memref<512x32xf32, #tpu.memory_space<vmem>> -> memref<128x32xf32, #tpu.memory_space<vmem>>
    %dma_start3A_41 = arith.constant 128 : i32
    %dma_start3A_42 = tpu.memref_slice %arg10[%dma_start3A_41] : memref<512xi32, #tpu.memory_space<vmem>> -> memref<128xi32, #tpu.memory_space<vmem>>
    %dma_start3A_43 = arith.constant 0 : i32
    %dma_start3A_44 = arith.constant 0 : i32
    %dma_start3A_45 = tpu.memref_slice %arg6[%dma_start3A_43, %dma_start3A_44] : memref<1000000x32xf32, #tpu.memory_space<hbm>> -> memref<1000000x32xf32, #tpu.memory_space<hbm>>
    tpu.enqueue_indirect_dma source(%dma_start3A_45 : memref<1000000x32xf32, #tpu.memory_space<hbm>>) target(%dma_start3A_40 : memref<128x32xf32, #tpu.memory_space<vmem>>) offsets(%dma_start3A_42 : memref<128xi32, #tpu.memory_space<vmem>>) semaphore(%arg16 : memref<!tpu.dma_semaphore, #tpu.memory_space<semaphore_mem>>)
    %dma_start3A_46 = arith.constant 128 : i32
    %dma_start3A_47 = tpu.memref_slice %arg13[%dma_start3A_46] : memref<512xf32, #tpu.memory_space<vmem>> -> memref<128xf32, #tpu.memory_space<vmem>>
    %dma_start3A_48 = arith.constant 128 : i32
    %dma_start3A_49 = tpu.memref_slice %arg9[%dma_start3A_48] : memref<512xi32, #tpu.memory_space<vmem>> -> memref<128xi32, #tpu.memory_space<vmem>>
    %dma_start3A_50 = arith.constant 0 : i32
    %dma_start3A_51 = tpu.memref_slice %arg5[%dma_start3A_50] : memref<1000000xf32, #tpu.memory_space<hbm>> -> memref<1000000xf32, #tpu.memory_space<hbm>>
    tpu.enqueue_indirect_dma source(%dma_start3A_51 : memref<1000000xf32, #tpu.memory_space<hbm>>) target(%dma_start3A_47 : memref<128xf32, #tpu.memory_space<vmem>>) offsets(%dma_start3A_49 : memref<128xi32, #tpu.memory_space<vmem>>) semaphore(%arg16 : memref<!tpu.dma_semaphore, #tpu.memory_space<semaphore_mem>>)
    %dma_start3A_52 = arith.constant 128 : i32
    %dma_start3A_53 = tpu.memref_slice %arg14[%dma_start3A_52] : memref<512xf32, #tpu.memory_space<vmem>> -> memref<128xf32, #tpu.memory_space<vmem>>
    %dma_start3A_54 = arith.constant 128 : i32
    %dma_start3A_55 = tpu.memref_slice %arg10[%dma_start3A_54] : memref<512xi32, #tpu.memory_space<vmem>> -> memref<128xi32, #tpu.memory_space<vmem>>
    %dma_start3A_56 = arith.constant 0 : i32
    %dma_start3A_57 = tpu.memref_slice %arg7[%dma_start3A_56] : memref<1000000xf32, #tpu.memory_space<hbm>> -> memref<1000000xf32, #tpu.memory_space<hbm>>
    tpu.enqueue_indirect_dma source(%dma_start3A_57 : memref<1000000xf32, #tpu.memory_space<hbm>>) target(%dma_start3A_53 : memref<128xf32, #tpu.memory_space<vmem>>) offsets(%dma_start3A_55 : memref<128xi32, #tpu.memory_space<vmem>>) semaphore(%arg16 : memref<!tpu.dma_semaphore, #tpu.memory_space<semaphore_mem>>)
    %dma_start3A_58 = arith.constant 256 : i32
    %dma_start3A_59 = arith.constant 0 : i32
    %dma_start3A_60 = tpu.memref_slice %arg11[%dma_start3A_58, %dma_start3A_59] : memref<512x32xf32, #tpu.memory_space<vmem>> -> memref<128x32xf32, #tpu.memory_space<vmem>>
    %dma_start3A_61 = arith.constant 256 : i32
    %dma_start3A_62 = tpu.memref_slice %arg9[%dma_start3A_61] : memref<512xi32, #tpu.memory_space<vmem>> -> memref<128xi32, #tpu.memory_space<vmem>>
    %dma_start3A_63 = arith.constant 0 : i32
    %dma_start3A_64 = arith.constant 0 : i32
    %dma_start3A_65 = tpu.memref_slice %arg4[%dma_start3A_63, %dma_start3A_64] : memref<1000000x32xf32, #tpu.memory_space<hbm>> -> memref<1000000x32xf32, #tpu.memory_space<hbm>>
    tpu.enqueue_indirect_dma source(%dma_start3A_65 : memref<1000000x32xf32, #tpu.memory_space<hbm>>) target(%dma_start3A_60 : memref<128x32xf32, #tpu.memory_space<vmem>>) offsets(%dma_start3A_62 : memref<128xi32, #tpu.memory_space<vmem>>) semaphore(%arg16 : memref<!tpu.dma_semaphore, #tpu.memory_space<semaphore_mem>>)
    %dma_start3A_66 = arith.constant 256 : i32
    %dma_start3A_67 = arith.constant 0 : i32
    %dma_start3A_68 = tpu.memref_slice %arg12[%dma_start3A_66, %dma_start3A_67] : memref<512x32xf32, #tpu.memory_space<vmem>> -> memref<128x32xf32, #tpu.memory_space<vmem>>
    %dma_start3A_69 = arith.constant 256 : i32
    %dma_start3A_70 = tpu.memref_slice %arg10[%dma_start3A_69] : memref<512xi32, #tpu.memory_space<vmem>> -> memref<128xi32, #tpu.memory_space<vmem>>
    %dma_start3A_71 = arith.constant 0 : i32
    %dma_start3A_72 = arith.constant 0 : i32
    %dma_start3A_73 = tpu.memref_slice %arg6[%dma_start3A_71, %dma_start3A_72] : memref<1000000x32xf32, #tpu.memory_space<hbm>> -> memref<1000000x32xf32, #tpu.memory_space<hbm>>
    tpu.enqueue_indirect_dma source(%dma_start3A_73 : memref<1000000x32xf32, #tpu.memory_space<hbm>>) target(%dma_start3A_68 : memref<128x32xf32, #tpu.memory_space<vmem>>) offsets(%dma_start3A_70 : memref<128xi32, #tpu.memory_space<vmem>>) semaphore(%arg16 : memref<!tpu.dma_semaphore, #tpu.memory_space<semaphore_mem>>)
    %dma_start3A_74 = arith.constant 256 : i32
    %dma_start3A_75 = tpu.memref_slice %arg13[%dma_start3A_74] : memref<512xf32, #tpu.memory_space<vmem>> -> memref<128xf32, #tpu.memory_space<vmem>>
    %dma_start3A_76 = arith.constant 256 : i32
    %dma_start3A_77 = tpu.memref_slice %arg9[%dma_start3A_76] : memref<512xi32, #tpu.memory_space<vmem>> -> memref<128xi32, #tpu.memory_space<vmem>>
    %dma_start3A_78 = arith.constant 0 : i32
    %dma_start3A_79 = tpu.memref_slice %arg5[%dma_start3A_78] : memref<1000000xf32, #tpu.memory_space<hbm>> -> memref<1000000xf32, #tpu.memory_space<hbm>>
    tpu.enqueue_indirect_dma source(%dma_start3A_79 : memref<1000000xf32, #tpu.memory_space<hbm>>) target(%dma_start3A_75 : memref<128xf32, #tpu.memory_space<vmem>>) offsets(%dma_start3A_77 : memref<128xi32, #tpu.memory_space<vmem>>) semaphore(%arg16 : memref<!tpu.dma_semaphore, #tpu.memory_space<semaphore_mem>>)
    %dma_start3A_80 = arith.constant 256 : i32
    %dma_start3A_81 = tpu.memref_slice %arg14[%dma_start3A_80] : memref<512xf32, #tpu.memory_space<vmem>> -> memref<128xf32, #tpu.memory_space<vmem>>
    %dma_start3A_82 = arith.constant 256 : i32
    %dma_start3A_83 = tpu.memref_slice %arg10[%dma_start3A_82] : memref<512xi32, #tpu.memory_space<vmem>> -> memref<128xi32, #tpu.memory_space<vmem>>
    %dma_start3A_84 = arith.constant 0 : i32
    %dma_start3A_85 = tpu.memref_slice %arg7[%dma_start3A_84] : memref<1000000xf32, #tpu.memory_space<hbm>> -> memref<1000000xf32, #tpu.memory_space<hbm>>
    tpu.enqueue_indirect_dma source(%dma_start3A_85 : memref<1000000xf32, #tpu.memory_space<hbm>>) target(%dma_start3A_81 : memref<128xf32, #tpu.memory_space<vmem>>) offsets(%dma_start3A_83 : memref<128xi32, #tpu.memory_space<vmem>>) semaphore(%arg16 : memref<!tpu.dma_semaphore, #tpu.memory_space<semaphore_mem>>)
    %dma_start3A_86 = arith.constant 384 : i32
    %dma_start3A_87 = arith.constant 0 : i32
    %dma_start3A_88 = tpu.memref_slice %arg11[%dma_start3A_86, %dma_start3A_87] : memref<512x32xf32, #tpu.memory_space<vmem>> -> memref<128x32xf32, #tpu.memory_space<vmem>>
    %dma_start3A_89 = arith.constant 384 : i32
    %dma_start3A_90 = tpu.memref_slice %arg9[%dma_start3A_89] : memref<512xi32, #tpu.memory_space<vmem>> -> memref<128xi32, #tpu.memory_space<vmem>>
    %dma_start3A_91 = arith.constant 0 : i32
    %dma_start3A_92 = arith.constant 0 : i32
    %dma_start3A_93 = tpu.memref_slice %arg4[%dma_start3A_91, %dma_start3A_92] : memref<1000000x32xf32, #tpu.memory_space<hbm>> -> memref<1000000x32xf32, #tpu.memory_space<hbm>>
    tpu.enqueue_indirect_dma source(%dma_start3A_93 : memref<1000000x32xf32, #tpu.memory_space<hbm>>) target(%dma_start3A_88 : memref<128x32xf32, #tpu.memory_space<vmem>>) offsets(%dma_start3A_90 : memref<128xi32, #tpu.memory_space<vmem>>) semaphore(%arg16 : memref<!tpu.dma_semaphore, #tpu.memory_space<semaphore_mem>>)
    %dma_start3A_94 = arith.constant 384 : i32
    %dma_start3A_95 = arith.constant 0 : i32
    %dma_start3A_96 = tpu.memref_slice %arg12[%dma_start3A_94, %dma_start3A_95] : memref<512x32xf32, #tpu.memory_space<vmem>> -> memref<128x32xf32, #tpu.memory_space<vmem>>
    %dma_start3A_97 = arith.constant 384 : i32
    %dma_start3A_98 = tpu.memref_slice %arg10[%dma_start3A_97] : memref<512xi32, #tpu.memory_space<vmem>> -> memref<128xi32, #tpu.memory_space<vmem>>
    %dma_start3A_99 = arith.constant 0 : i32
    %dma_start3A_100 = arith.constant 0 : i32
    %dma_start3A_101 = tpu.memref_slice %arg6[%dma_start3A_99, %dma_start3A_100] : memref<1000000x32xf32, #tpu.memory_space<hbm>> -> memref<1000000x32xf32, #tpu.memory_space<hbm>>
    tpu.enqueue_indirect_dma source(%dma_start3A_101 : memref<1000000x32xf32, #tpu.memory_space<hbm>>) target(%dma_start3A_96 : memref<128x32xf32, #tpu.memory_space<vmem>>) offsets(%dma_start3A_98 : memref<128xi32, #tpu.memory_space<vmem>>) semaphore(%arg16 : memref<!tpu.dma_semaphore, #tpu.memory_space<semaphore_mem>>)
    %dma_start3A_102 = arith.constant 384 : i32
    %dma_start3A_103 = tpu.memref_slice %arg13[%dma_start3A_102] : memref<512xf32, #tpu.memory_space<vmem>> -> memref<128xf32, #tpu.memory_space<vmem>>
    %dma_start3A_104 = arith.constant 384 : i32
    %dma_start3A_105 = tpu.memref_slice %arg9[%dma_start3A_104] : memref<512xi32, #tpu.memory_space<vmem>> -> memref<128xi32, #tpu.memory_space<vmem>>
    %dma_start3A_106 = arith.constant 0 : i32
    %dma_start3A_107 = tpu.memref_slice %arg5[%dma_start3A_106] : memref<1000000xf32, #tpu.memory_space<hbm>> -> memref<1000000xf32, #tpu.memory_space<hbm>>
    tpu.enqueue_indirect_dma source(%dma_start3A_107 : memref<1000000xf32, #tpu.memory_space<hbm>>) target(%dma_start3A_103 : memref<128xf32, #tpu.memory_space<vmem>>) offsets(%dma_start3A_105 : memref<128xi32, #tpu.memory_space<vmem>>) semaphore(%arg16 : memref<!tpu.dma_semaphore, #tpu.memory_space<semaphore_mem>>)
    %dma_start3A_108 = arith.constant 384 : i32
    %dma_start3A_109 = tpu.memref_slice %arg14[%dma_start3A_108] : memref<512xf32, #tpu.memory_space<vmem>> -> memref<128xf32, #tpu.memory_space<vmem>>
    %dma_start3A_110 = arith.constant 384 : i32
    %dma_start3A_111 = tpu.memref_slice %arg10[%dma_start3A_110] : memref<512xi32, #tpu.memory_space<vmem>> -> memref<128xi32, #tpu.memory_space<vmem>>
    %dma_start3A_112 = arith.constant 0 : i32
    %dma_start3A_113 = tpu.memref_slice %arg7[%dma_start3A_112] : memref<1000000xf32, #tpu.memory_space<hbm>> -> memref<1000000xf32, #tpu.memory_space<hbm>>
    tpu.enqueue_indirect_dma source(%dma_start3A_113 : memref<1000000xf32, #tpu.memory_space<hbm>>) target(%dma_start3A_109 : memref<128xf32, #tpu.memory_space<vmem>>) offsets(%dma_start3A_111 : memref<128xi32, #tpu.memory_space<vmem>>) semaphore(%arg16 : memref<!tpu.dma_semaphore, #tpu.memory_space<semaphore_mem>>)
    %dma_wait3A = arith.constant 0 : i32
    %dma_wait3A_114 = arith.constant 0 : i32
    %dma_wait3A_115 = tpu.memref_slice %arg11[%dma_wait3A, %dma_wait3A_114] : memref<512x32xf32, #tpu.memory_space<vmem>> -> memref<128x32xf32, #tpu.memory_space<vmem>>
    %dma_wait3A_116 = arith.constant 0 : i32
    %dma_wait3A_117 = tpu.memref_slice %arg9[%dma_wait3A_116] : memref<512xi32, #tpu.memory_space<vmem>> -> memref<128xi32, #tpu.memory_space<vmem>>
    %dma_wait3A_118 = arith.constant 0 : i32
    %dma_wait3A_119 = arith.constant 0 : i32
    %dma_wait3A_120 = tpu.memref_slice %arg4[%dma_wait3A_118, %dma_wait3A_119] : memref<1000000x32xf32, #tpu.memory_space<hbm>> -> memref<1000000x32xf32, #tpu.memory_space<hbm>>
    tpu.wait_indirect_dma semaphore(%arg16 : memref<!tpu.dma_semaphore, #tpu.memory_space<semaphore_mem>>) src(%dma_wait3A_120 : memref<1000000x32xf32, #tpu.memory_space<hbm>>) dst(%dma_wait3A_115 : memref<128x32xf32, #tpu.memory_space<vmem>>)
    %dma_wait3A_121 = arith.constant 0 : i32
    %dma_wait3A_122 = arith.constant 0 : i32
    %dma_wait3A_123 = tpu.memref_slice %arg12[%dma_wait3A_121, %dma_wait3A_122] : memref<512x32xf32, #tpu.memory_space<vmem>> -> memref<128x32xf32, #tpu.memory_space<vmem>>
    %dma_wait3A_124 = arith.constant 0 : i32
    %dma_wait3A_125 = tpu.memref_slice %arg10[%dma_wait3A_124] : memref<512xi32, #tpu.memory_space<vmem>> -> memref<128xi32, #tpu.memory_space<vmem>>
    %dma_wait3A_126 = arith.constant 0 : i32
    %dma_wait3A_127 = arith.constant 0 : i32
    %dma_wait3A_128 = tpu.memref_slice %arg6[%dma_wait3A_126, %dma_wait3A_127] : memref<1000000x32xf32, #tpu.memory_space<hbm>> -> memref<1000000x32xf32, #tpu.memory_space<hbm>>
    tpu.wait_indirect_dma semaphore(%arg16 : memref<!tpu.dma_semaphore, #tpu.memory_space<semaphore_mem>>) src(%dma_wait3A_128 : memref<1000000x32xf32, #tpu.memory_space<hbm>>) dst(%dma_wait3A_123 : memref<128x32xf32, #tpu.memory_space<vmem>>)
    %dma_wait3A_129 = arith.constant 0 : i32
    %dma_wait3A_130 = tpu.memref_slice %arg13[%dma_wait3A_129] : memref<512xf32, #tpu.memory_space<vmem>> -> memref<128xf32, #tpu.memory_space<vmem>>
    %dma_wait3A_131 = arith.constant 0 : i32
    %dma_wait3A_132 = tpu.memref_slice %arg9[%dma_wait3A_131] : memref<512xi32, #tpu.memory_space<vmem>> -> memref<128xi32, #tpu.memory_space<vmem>>
    %dma_wait3A_133 = arith.constant 0 : i32
    %dma_wait3A_134 = tpu.memref_slice %arg5[%dma_wait3A_133] : memref<1000000xf32, #tpu.memory_space<hbm>> -> memref<1000000xf32, #tpu.memory_space<hbm>>
    tpu.wait_indirect_dma semaphore(%arg16 : memref<!tpu.dma_semaphore, #tpu.memory_space<semaphore_mem>>) src(%dma_wait3A_134 : memref<1000000xf32, #tpu.memory_space<hbm>>) dst(%dma_wait3A_130 : memref<128xf32, #tpu.memory_space<vmem>>)
    %dma_wait3A_135 = arith.constant 0 : i32
    %dma_wait3A_136 = tpu.memref_slice %arg14[%dma_wait3A_135] : memref<512xf32, #tpu.memory_space<vmem>> -> memref<128xf32, #tpu.memory_space<vmem>>
    %dma_wait3A_137 = arith.constant 0 : i32
    %dma_wait3A_138 = tpu.memref_slice %arg10[%dma_wait3A_137] : memref<512xi32, #tpu.memory_space<vmem>> -> memref<128xi32, #tpu.memory_space<vmem>>
    %dma_wait3A_139 = arith.constant 0 : i32
    %dma_wait3A_140 = tpu.memref_slice %arg7[%dma_wait3A_139] : memref<1000000xf32, #tpu.memory_space<hbm>> -> memref<1000000xf32, #tpu.memory_space<hbm>>
    tpu.wait_indirect_dma semaphore(%arg16 : memref<!tpu.dma_semaphore, #tpu.memory_space<semaphore_mem>>) src(%dma_wait3A_140 : memref<1000000xf32, #tpu.memory_space<hbm>>) dst(%dma_wait3A_136 : memref<128xf32, #tpu.memory_space<vmem>>)
    %dma_wait3A_141 = arith.constant 128 : i32
    %dma_wait3A_142 = arith.constant 0 : i32
    %dma_wait3A_143 = tpu.memref_slice %arg11[%dma_wait3A_141, %dma_wait3A_142] : memref<512x32xf32, #tpu.memory_space<vmem>> -> memref<128x32xf32, #tpu.memory_space<vmem>>
    %dma_wait3A_144 = arith.constant 128 : i32
    %dma_wait3A_145 = tpu.memref_slice %arg9[%dma_wait3A_144] : memref<512xi32, #tpu.memory_space<vmem>> -> memref<128xi32, #tpu.memory_space<vmem>>
    %dma_wait3A_146 = arith.constant 0 : i32
    %dma_wait3A_147 = arith.constant 0 : i32
    %dma_wait3A_148 = tpu.memref_slice %arg4[%dma_wait3A_146, %dma_wait3A_147] : memref<1000000x32xf32, #tpu.memory_space<hbm>> -> memref<1000000x32xf32, #tpu.memory_space<hbm>>
    tpu.wait_indirect_dma semaphore(%arg16 : memref<!tpu.dma_semaphore, #tpu.memory_space<semaphore_mem>>) src(%dma_wait3A_148 : memref<1000000x32xf32, #tpu.memory_space<hbm>>) dst(%dma_wait3A_143 : memref<128x32xf32, #tpu.memory_space<vmem>>)
    %dma_wait3A_149 = arith.constant 128 : i32
    %dma_wait3A_150 = arith.constant 0 : i32
    %dma_wait3A_151 = tpu.memref_slice %arg12[%dma_wait3A_149, %dma_wait3A_150] : memref<512x32xf32, #tpu.memory_space<vmem>> -> memref<128x32xf32, #tpu.memory_space<vmem>>
    %dma_wait3A_152 = arith.constant 128 : i32
    %dma_wait3A_153 = tpu.memref_slice %arg10[%dma_wait3A_152] : memref<512xi32, #tpu.memory_space<vmem>> -> memref<128xi32, #tpu.memory_space<vmem>>
    %dma_wait3A_154 = arith.constant 0 : i32
    %dma_wait3A_155 = arith.constant 0 : i32
    %dma_wait3A_156 = tpu.memref_slice %arg6[%dma_wait3A_154, %dma_wait3A_155] : memref<1000000x32xf32, #tpu.memory_space<hbm>> -> memref<1000000x32xf32, #tpu.memory_space<hbm>>
    tpu.wait_indirect_dma semaphore(%arg16 : memref<!tpu.dma_semaphore, #tpu.memory_space<semaphore_mem>>) src(%dma_wait3A_156 : memref<1000000x32xf32, #tpu.memory_space<hbm>>) dst(%dma_wait3A_151 : memref<128x32xf32, #tpu.memory_space<vmem>>)
    %dma_wait3A_157 = arith.constant 128 : i32
    %dma_wait3A_158 = tpu.memref_slice %arg13[%dma_wait3A_157] : memref<512xf32, #tpu.memory_space<vmem>> -> memref<128xf32, #tpu.memory_space<vmem>>
    %dma_wait3A_159 = arith.constant 128 : i32
    %dma_wait3A_160 = tpu.memref_slice %arg9[%dma_wait3A_159] : memref<512xi32, #tpu.memory_space<vmem>> -> memref<128xi32, #tpu.memory_space<vmem>>
    %dma_wait3A_161 = arith.constant 0 : i32
    %dma_wait3A_162 = tpu.memref_slice %arg5[%dma_wait3A_161] : memref<1000000xf32, #tpu.memory_space<hbm>> -> memref<1000000xf32, #tpu.memory_space<hbm>>
    tpu.wait_indirect_dma semaphore(%arg16 : memref<!tpu.dma_semaphore, #tpu.memory_space<semaphore_mem>>) src(%dma_wait3A_162 : memref<1000000xf32, #tpu.memory_space<hbm>>) dst(%dma_wait3A_158 : memref<128xf32, #tpu.memory_space<vmem>>)
    %dma_wait3A_163 = arith.constant 128 : i32
    %dma_wait3A_164 = tpu.memref_slice %arg14[%dma_wait3A_163] : memref<512xf32, #tpu.memory_space<vmem>> -> memref<128xf32, #tpu.memory_space<vmem>>
    %dma_wait3A_165 = arith.constant 128 : i32
    %dma_wait3A_166 = tpu.memref_slice %arg10[%dma_wait3A_165] : memref<512xi32, #tpu.memory_space<vmem>> -> memref<128xi32, #tpu.memory_space<vmem>>
    %dma_wait3A_167 = arith.constant 0 : i32
    %dma_wait3A_168 = tpu.memref_slice %arg7[%dma_wait3A_167] : memref<1000000xf32, #tpu.memory_space<hbm>> -> memref<1000000xf32, #tpu.memory_space<hbm>>
    tpu.wait_indirect_dma semaphore(%arg16 : memref<!tpu.dma_semaphore, #tpu.memory_space<semaphore_mem>>) src(%dma_wait3A_168 : memref<1000000xf32, #tpu.memory_space<hbm>>) dst(%dma_wait3A_164 : memref<128xf32, #tpu.memory_space<vmem>>)
    %dma_wait3A_169 = arith.constant 256 : i32
    %dma_wait3A_170 = arith.constant 0 : i32
    %dma_wait3A_171 = tpu.memref_slice %arg11[%dma_wait3A_169, %dma_wait3A_170] : memref<512x32xf32, #tpu.memory_space<vmem>> -> memref<128x32xf32, #tpu.memory_space<vmem>>
    %dma_wait3A_172 = arith.constant 256 : i32
    %dma_wait3A_173 = tpu.memref_slice %arg9[%dma_wait3A_172] : memref<512xi32, #tpu.memory_space<vmem>> -> memref<128xi32, #tpu.memory_space<vmem>>
    %dma_wait3A_174 = arith.constant 0 : i32
    %dma_wait3A_175 = arith.constant 0 : i32
    %dma_wait3A_176 = tpu.memref_slice %arg4[%dma_wait3A_174, %dma_wait3A_175] : memref<1000000x32xf32, #tpu.memory_space<hbm>> -> memref<1000000x32xf32, #tpu.memory_space<hbm>>
    tpu.wait_indirect_dma semaphore(%arg16 : memref<!tpu.dma_semaphore, #tpu.memory_space<semaphore_mem>>) src(%dma_wait3A_176 : memref<1000000x32xf32, #tpu.memory_space<hbm>>) dst(%dma_wait3A_171 : memref<128x32xf32, #tpu.memory_space<vmem>>)
    %dma_wait3A_177 = arith.constant 256 : i32
    %dma_wait3A_178 = arith.constant 0 : i32
    %dma_wait3A_179 = tpu.memref_slice %arg12[%dma_wait3A_177, %dma_wait3A_178] : memref<512x32xf32, #tpu.memory_space<vmem>> -> memref<128x32xf32, #tpu.memory_space<vmem>>
    %dma_wait3A_180 = arith.constant 256 : i32
    %dma_wait3A_181 = tpu.memref_slice %arg10[%dma_wait3A_180] : memref<512xi32, #tpu.memory_space<vmem>> -> memref<128xi32, #tpu.memory_space<vmem>>
    %dma_wait3A_182 = arith.constant 0 : i32
    %dma_wait3A_183 = arith.constant 0 : i32
    %dma_wait3A_184 = tpu.memref_slice %arg6[%dma_wait3A_182, %dma_wait3A_183] : memref<1000000x32xf32, #tpu.memory_space<hbm>> -> memref<1000000x32xf32, #tpu.memory_space<hbm>>
    tpu.wait_indirect_dma semaphore(%arg16 : memref<!tpu.dma_semaphore, #tpu.memory_space<semaphore_mem>>) src(%dma_wait3A_184 : memref<1000000x32xf32, #tpu.memory_space<hbm>>) dst(%dma_wait3A_179 : memref<128x32xf32, #tpu.memory_space<vmem>>)
    %dma_wait3A_185 = arith.constant 256 : i32
    %dma_wait3A_186 = tpu.memref_slice %arg13[%dma_wait3A_185] : memref<512xf32, #tpu.memory_space<vmem>> -> memref<128xf32, #tpu.memory_space<vmem>>
    %dma_wait3A_187 = arith.constant 256 : i32
    %dma_wait3A_188 = tpu.memref_slice %arg9[%dma_wait3A_187] : memref<512xi32, #tpu.memory_space<vmem>> -> memref<128xi32, #tpu.memory_space<vmem>>
    %dma_wait3A_189 = arith.constant 0 : i32
    %dma_wait3A_190 = tpu.memref_slice %arg5[%dma_wait3A_189] : memref<1000000xf32, #tpu.memory_space<hbm>> -> memref<1000000xf32, #tpu.memory_space<hbm>>
    tpu.wait_indirect_dma semaphore(%arg16 : memref<!tpu.dma_semaphore, #tpu.memory_space<semaphore_mem>>) src(%dma_wait3A_190 : memref<1000000xf32, #tpu.memory_space<hbm>>) dst(%dma_wait3A_186 : memref<128xf32, #tpu.memory_space<vmem>>)
    %dma_wait3A_191 = arith.constant 256 : i32
    %dma_wait3A_192 = tpu.memref_slice %arg14[%dma_wait3A_191] : memref<512xf32, #tpu.memory_space<vmem>> -> memref<128xf32, #tpu.memory_space<vmem>>
    %dma_wait3A_193 = arith.constant 256 : i32
    %dma_wait3A_194 = tpu.memref_slice %arg10[%dma_wait3A_193] : memref<512xi32, #tpu.memory_space<vmem>> -> memref<128xi32, #tpu.memory_space<vmem>>
    %dma_wait3A_195 = arith.constant 0 : i32
    %dma_wait3A_196 = tpu.memref_slice %arg7[%dma_wait3A_195] : memref<1000000xf32, #tpu.memory_space<hbm>> -> memref<1000000xf32, #tpu.memory_space<hbm>>
    tpu.wait_indirect_dma semaphore(%arg16 : memref<!tpu.dma_semaphore, #tpu.memory_space<semaphore_mem>>) src(%dma_wait3A_196 : memref<1000000xf32, #tpu.memory_space<hbm>>) dst(%dma_wait3A_192 : memref<128xf32, #tpu.memory_space<vmem>>)
    %dma_wait3A_197 = arith.constant 384 : i32
    %dma_wait3A_198 = arith.constant 0 : i32
    %dma_wait3A_199 = tpu.memref_slice %arg11[%dma_wait3A_197, %dma_wait3A_198] : memref<512x32xf32, #tpu.memory_space<vmem>> -> memref<128x32xf32, #tpu.memory_space<vmem>>
    %dma_wait3A_200 = arith.constant 384 : i32
    %dma_wait3A_201 = tpu.memref_slice %arg9[%dma_wait3A_200] : memref<512xi32, #tpu.memory_space<vmem>> -> memref<128xi32, #tpu.memory_space<vmem>>
    %dma_wait3A_202 = arith.constant 0 : i32
    %dma_wait3A_203 = arith.constant 0 : i32
    %dma_wait3A_204 = tpu.memref_slice %arg4[%dma_wait3A_202, %dma_wait3A_203] : memref<1000000x32xf32, #tpu.memory_space<hbm>> -> memref<1000000x32xf32, #tpu.memory_space<hbm>>
    tpu.wait_indirect_dma semaphore(%arg16 : memref<!tpu.dma_semaphore, #tpu.memory_space<semaphore_mem>>) src(%dma_wait3A_204 : memref<1000000x32xf32, #tpu.memory_space<hbm>>) dst(%dma_wait3A_199 : memref<128x32xf32, #tpu.memory_space<vmem>>)
    %dma_wait3A_205 = arith.constant 384 : i32
    %dma_wait3A_206 = arith.constant 0 : i32
    %dma_wait3A_207 = tpu.memref_slice %arg12[%dma_wait3A_205, %dma_wait3A_206] : memref<512x32xf32, #tpu.memory_space<vmem>> -> memref<128x32xf32, #tpu.memory_space<vmem>>
    %dma_wait3A_208 = arith.constant 384 : i32
    %dma_wait3A_209 = tpu.memref_slice %arg10[%dma_wait3A_208] : memref<512xi32, #tpu.memory_space<vmem>> -> memref<128xi32, #tpu.memory_space<vmem>>
    %dma_wait3A_210 = arith.constant 0 : i32
    %dma_wait3A_211 = arith.constant 0 : i32
    %dma_wait3A_212 = tpu.memref_slice %arg6[%dma_wait3A_210, %dma_wait3A_211] : memref<1000000x32xf32, #tpu.memory_space<hbm>> -> memref<1000000x32xf32, #tpu.memory_space<hbm>>
    tpu.wait_indirect_dma semaphore(%arg16 : memref<!tpu.dma_semaphore, #tpu.memory_space<semaphore_mem>>) src(%dma_wait3A_212 : memref<1000000x32xf32, #tpu.memory_space<hbm>>) dst(%dma_wait3A_207 : memref<128x32xf32, #tpu.memory_space<vmem>>)
    %dma_wait3A_213 = arith.constant 384 : i32
    %dma_wait3A_214 = tpu.memref_slice %arg13[%dma_wait3A_213] : memref<512xf32, #tpu.memory_space<vmem>> -> memref<128xf32, #tpu.memory_space<vmem>>
    %dma_wait3A_215 = arith.constant 384 : i32
    %dma_wait3A_216 = tpu.memref_slice %arg9[%dma_wait3A_215] : memref<512xi32, #tpu.memory_space<vmem>> -> memref<128xi32, #tpu.memory_space<vmem>>
    %dma_wait3A_217 = arith.constant 0 : i32
    %dma_wait3A_218 = tpu.memref_slice %arg5[%dma_wait3A_217] : memref<1000000xf32, #tpu.memory_space<hbm>> -> memref<1000000xf32, #tpu.memory_space<hbm>>
    tpu.wait_indirect_dma semaphore(%arg16 : memref<!tpu.dma_semaphore, #tpu.memory_space<semaphore_mem>>) src(%dma_wait3A_218 : memref<1000000xf32, #tpu.memory_space<hbm>>) dst(%dma_wait3A_214 : memref<128xf32, #tpu.memory_space<vmem>>)
    %dma_wait3A_219 = arith.constant 384 : i32
    %dma_wait3A_220 = tpu.memref_slice %arg14[%dma_wait3A_219] : memref<512xf32, #tpu.memory_space<vmem>> -> memref<128xf32, #tpu.memory_space<vmem>>
    %dma_wait3A_221 = arith.constant 384 : i32
    %dma_wait3A_222 = tpu.memref_slice %arg10[%dma_wait3A_221] : memref<512xi32, #tpu.memory_space<vmem>> -> memref<128xi32, #tpu.memory_space<vmem>>
    %dma_wait3A_223 = arith.constant 0 : i32
    %dma_wait3A_224 = tpu.memref_slice %arg7[%dma_wait3A_223] : memref<1000000xf32, #tpu.memory_space<hbm>> -> memref<1000000xf32, #tpu.memory_space<hbm>>
    tpu.wait_indirect_dma semaphore(%arg16 : memref<!tpu.dma_semaphore, #tpu.memory_space<semaphore_mem>>) src(%dma_wait3A_224 : memref<1000000xf32, #tpu.memory_space<hbm>>) dst(%dma_wait3A_220 : memref<128xf32, #tpu.memory_space<vmem>>)
    %iota3A = tpu.iota {dimensions = array<i32: 0>} : vector<16xi32>
    %scan3A = arith.constant 0 : i32
    %scan3A_225 = arith.constant 0 : i32
    %scan3A_226 = arith.constant 32 : i32
    %scan3A_227 = arith.addi %scan3A_225, %scan3A_226 : i32
    %scan3A_228 = arith.constant 1 : i32
    scf.for %scan3A_230 = %scan3A_225 to %scan3A_227 step %scan3A_228  : i32 {
      %mul3A_231 = arith.constant 16 : i32
      %mul3A_232 = arith.muli %scan3A_230, %mul3A_231 : i32
      %add3A_233 = vector.broadcast %mul3A_232 : i32 to vector<16xi32>
      %add3A_234 = arith.addi %add3A_233, %iota3A : vector<16xi32>
      %gather3A = tpu.vector_load_idx %arg13[%add3A_234] : memref<512xf32, #tpu.memory_space<vmem>>[vector<16xi32>], vector<16xf32>,
      %gather3A_235 = tpu.vector_load_idx %arg14[%add3A_234] : memref<512xf32, #tpu.memory_space<vmem>>[vector<16xi32>], vector<16xf32>,
      %add3A_236 = arith.addf %gather3A, %gather3A_235 : vector<16xf32>
      %broadcast_in_dim3A = arith.constant 0 : i32
      %broadcast_in_dim3A_237 = vector.broadcast %broadcast_in_dim3A : i32 to vector<16xi32>
      %gather3A_238 = tpu.vector_load_idx %arg11[%add3A_234, %broadcast_in_dim3A_237] : memref<512x32xf32, #tpu.memory_space<vmem>>[vector<16xi32>, vector<16xi32>], vector<16xf32>,
      %gather3A_239 = tpu.vector_load_idx %arg12[%add3A_234, %broadcast_in_dim3A_237] : memref<512x32xf32, #tpu.memory_space<vmem>>[vector<16xi32>, vector<16xi32>], vector<16xf32>,
      %mul3A_240 = arith.mulf %gather3A_238, %gather3A_239 : vector<16xf32>
      %add3A_241 = arith.addf %add3A_236, %mul3A_240 : vector<16xf32>
      %broadcast_in_dim3A_242 = arith.constant 1 : i32
      %broadcast_in_dim3A_243 = vector.broadcast %broadcast_in_dim3A_242 : i32 to vector<16xi32>
      %gather3A_244 = tpu.vector_load_idx %arg11[%add3A_234, %broadcast_in_dim3A_243] : memref<512x32xf32, #tpu.memory_space<vmem>>[vector<16xi32>, vector<16xi32>], vector<16xf32>,
      %gather3A_245 = tpu.vector_load_idx %arg12[%add3A_234, %broadcast_in_dim3A_243] : memref<512x32xf32, #tpu.memory_space<vmem>>[vector<16xi32>, vector<16xi32>], vector<16xf32>,
      %mul3A_246 = arith.mulf %gather3A_244, %gather3A_245 : vector<16xf32>
      %add3A_247 = arith.addf %add3A_241, %mul3A_246 : vector<16xf32>
      %broadcast_in_dim3A_248 = arith.constant 2 : i32
      %broadcast_in_dim3A_249 = vector.broadcast %broadcast_in_dim3A_248 : i32 to vector<16xi32>
      %gather3A_250 = tpu.vector_load_idx %arg11[%add3A_234, %broadcast_in_dim3A_249] : memref<512x32xf32, #tpu.memory_space<vmem>>[vector<16xi32>, vector<16xi32>], vector<16xf32>,
      %gather3A_251 = tpu.vector_load_idx %arg12[%add3A_234, %broadcast_in_dim3A_249] : memref<512x32xf32, #tpu.memory_space<vmem>>[vector<16xi32>, vector<16xi32>], vector<16xf32>,
      %mul3A_252 = arith.mulf %gather3A_250, %gather3A_251 : vector<16xf32>
      %add3A_253 = arith.addf %add3A_247, %mul3A_252 : vector<16xf32>
      %broadcast_in_dim3A_254 = arith.constant 3 : i32
      %broadcast_in_dim3A_255 = vector.broadcast %broadcast_in_dim3A_254 : i32 to vector<16xi32>
      %gather3A_256 = tpu.vector_load_idx %arg11[%add3A_234, %broadcast_in_dim3A_255] : memref<512x32xf32, #tpu.memory_space<vmem>>[vector<16xi32>, vector<16xi32>], vector<16xf32>,
      %gather3A_257 = tpu.vector_load_idx %arg12[%add3A_234, %broadcast_in_dim3A_255] : memref<512x32xf32, #tpu.memory_space<vmem>>[vector<16xi32>, vector<16xi32>], vector<16xf32>,
      %mul3A_258 = arith.mulf %gather3A_256, %gather3A_257 : vector<16xf32>
      %add3A_259 = arith.addf %add3A_253, %mul3A_258 : vector<16xf32>
      %broadcast_in_dim3A_260 = arith.constant 4 : i32
      %broadcast_in_dim3A_261 = vector.broadcast %broadcast_in_dim3A_260 : i32 to vector<16xi32>
      %gather3A_262 = tpu.vector_load_idx %arg11[%add3A_234, %broadcast_in_dim3A_261] : memref<512x32xf32, #tpu.memory_space<vmem>>[vector<16xi32>, vector<16xi32>], vector<16xf32>,
      %gather3A_263 = tpu.vector_load_idx %arg12[%add3A_234, %broadcast_in_dim3A_261] : memref<512x32xf32, #tpu.memory_space<vmem>>[vector<16xi32>, vector<16xi32>], vector<16xf32>,
      %mul3A_264 = arith.mulf %gather3A_262, %gather3A_263 : vector<16xf32>
      %add3A_265 = arith.addf %add3A_259, %mul3A_264 : vector<16xf32>
      %broadcast_in_dim3A_266 = arith.constant 5 : i32
      %broadcast_in_dim3A_267 = vector.broadcast %broadcast_in_dim3A_266 : i32 to vector<16xi32>
      %gather3A_268 = tpu.vector_load_idx %arg11[%add3A_234, %broadcast_in_dim3A_267] : memref<512x32xf32, #tpu.memory_space<vmem>>[vector<16xi32>, vector<16xi32>], vector<16xf32>,
      %gather3A_269 = tpu.vector_load_idx %arg12[%add3A_234, %broadcast_in_dim3A_267] : memref<512x32xf32, #tpu.memory_space<vmem>>[vector<16xi32>, vector<16xi32>], vector<16xf32>,
      %mul3A_270 = arith.mulf %gather3A_268, %gather3A_269 : vector<16xf32>
      %add3A_271 = arith.addf %add3A_265, %mul3A_270 : vector<16xf32>
      %broadcast_in_dim3A_272 = arith.constant 6 : i32
      %broadcast_in_dim3A_273 = vector.broadcast %broadcast_in_dim3A_272 : i32 to vector<16xi32>
      %gather3A_274 = tpu.vector_load_idx %arg11[%add3A_234, %broadcast_in_dim3A_273] : memref<512x32xf32, #tpu.memory_space<vmem>>[vector<16xi32>, vector<16xi32>], vector<16xf32>,
      %gather3A_275 = tpu.vector_load_idx %arg12[%add3A_234, %broadcast_in_dim3A_273] : memref<512x32xf32, #tpu.memory_space<vmem>>[vector<16xi32>, vector<16xi32>], vector<16xf32>,
      %mul3A_276 = arith.mulf %gather3A_274, %gather3A_275 : vector<16xf32>
      %add3A_277 = arith.addf %add3A_271, %mul3A_276 : vector<16xf32>
      %broadcast_in_dim3A_278 = arith.constant 7 : i32
      %broadcast_in_dim3A_279 = vector.broadcast %broadcast_in_dim3A_278 : i32 to vector<16xi32>
      %gather3A_280 = tpu.vector_load_idx %arg11[%add3A_234, %broadcast_in_dim3A_279] : memref<512x32xf32, #tpu.memory_space<vmem>>[vector<16xi32>, vector<16xi32>], vector<16xf32>,
      %gather3A_281 = tpu.vector_load_idx %arg12[%add3A_234, %broadcast_in_dim3A_279] : memref<512x32xf32, #tpu.memory_space<vmem>>[vector<16xi32>, vector<16xi32>], vector<16xf32>,
      %mul3A_282 = arith.mulf %gather3A_280, %gather3A_281 : vector<16xf32>
      %add3A_283 = arith.addf %add3A_277, %mul3A_282 : vector<16xf32>
      %broadcast_in_dim3A_284 = arith.constant 8 : i32
      %broadcast_in_dim3A_285 = vector.broadcast %broadcast_in_dim3A_284 : i32 to vector<16xi32>
      %gather3A_286 = tpu.vector_load_idx %arg11[%add3A_234, %broadcast_in_dim3A_285] : memref<512x32xf32, #tpu.memory_space<vmem>>[vector<16xi32>, vector<16xi32>], vector<16xf32>,
      %gather3A_287 = tpu.vector_load_idx %arg12[%add3A_234, %broadcast_in_dim3A_285] : memref<512x32xf32, #tpu.memory_space<vmem>>[vector<16xi32>, vector<16xi32>], vector<16xf32>,
      %mul3A_288 = arith.mulf %gather3A_286, %gather3A_287 : vector<16xf32>
      %add3A_289 = arith.addf %add3A_283, %mul3A_288 : vector<16xf32>
      %broadcast_in_dim3A_290 = arith.constant 9 : i32
      %broadcast_in_dim3A_291 = vector.broadcast %broadcast_in_dim3A_290 : i32 to vector<16xi32>
      %gather3A_292 = tpu.vector_load_idx %arg11[%add3A_234, %broadcast_in_dim3A_291] : memref<512x32xf32, #tpu.memory_space<vmem>>[vector<16xi32>, vector<16xi32>], vector<16xf32>,
      %gather3A_293 = tpu.vector_load_idx %arg12[%add3A_234, %broadcast_in_dim3A_291] : memref<512x32xf32, #tpu.memory_space<vmem>>[vector<16xi32>, vector<16xi32>], vector<16xf32>,
      %mul3A_294 = arith.mulf %gather3A_292, %gather3A_293 : vector<16xf32>
      %add3A_295 = arith.addf %add3A_289, %mul3A_294 : vector<16xf32>
      %broadcast_in_dim3A_296 = arith.constant 10 : i32
      %broadcast_in_dim3A_297 = vector.broadcast %broadcast_in_dim3A_296 : i32 to vector<16xi32>
      %gather3A_298 = tpu.vector_load_idx %arg11[%add3A_234, %broadcast_in_dim3A_297] : memref<512x32xf32, #tpu.memory_space<vmem>>[vector<16xi32>, vector<16xi32>], vector<16xf32>,
      %gather3A_299 = tpu.vector_load_idx %arg12[%add3A_234, %broadcast_in_dim3A_297] : memref<512x32xf32, #tpu.memory_space<vmem>>[vector<16xi32>, vector<16xi32>], vector<16xf32>,
      %mul3A_300 = arith.mulf %gather3A_298, %gather3A_299 : vector<16xf32>
      %add3A_301 = arith.addf %add3A_295, %mul3A_300 : vector<16xf32>
      %broadcast_in_dim3A_302 = arith.constant 11 : i32
      %broadcast_in_dim3A_303 = vector.broadcast %broadcast_in_dim3A_302 : i32 to vector<16xi32>
      %gather3A_304 = tpu.vector_load_idx %arg11[%add3A_234, %broadcast_in_dim3A_303] : memref<512x32xf32, #tpu.memory_space<vmem>>[vector<16xi32>, vector<16xi32>], vector<16xf32>,
      %gather3A_305 = tpu.vector_load_idx %arg12[%add3A_234, %broadcast_in_dim3A_303] : memref<512x32xf32, #tpu.memory_space<vmem>>[vector<16xi32>, vector<16xi32>], vector<16xf32>,
      %mul3A_306 = arith.mulf %gather3A_304, %gather3A_305 : vector<16xf32>
      %add3A_307 = arith.addf %add3A_301, %mul3A_306 : vector<16xf32>
      %broadcast_in_dim3A_308 = arith.constant 12 : i32
      %broadcast_in_dim3A_309 = vector.broadcast %broadcast_in_dim3A_308 : i32 to vector<16xi32>
      %gather3A_310 = tpu.vector_load_idx %arg11[%add3A_234, %broadcast_in_dim3A_309] : memref<512x32xf32, #tpu.memory_space<vmem>>[vector<16xi32>, vector<16xi32>], vector<16xf32>,
      %gather3A_311 = tpu.vector_load_idx %arg12[%add3A_234, %broadcast_in_dim3A_309] : memref<512x32xf32, #tpu.memory_space<vmem>>[vector<16xi32>, vector<16xi32>], vector<16xf32>,
      %mul3A_312 = arith.mulf %gather3A_310, %gather3A_311 : vector<16xf32>
      %add3A_313 = arith.addf %add3A_307, %mul3A_312 : vector<16xf32>
      %broadcast_in_dim3A_314 = arith.constant 13 : i32
      %broadcast_in_dim3A_315 = vector.broadcast %broadcast_in_dim3A_314 : i32 to vector<16xi32>
      %gather3A_316 = tpu.vector_load_idx %arg11[%add3A_234, %broadcast_in_dim3A_315] : memref<512x32xf32, #tpu.memory_space<vmem>>[vector<16xi32>, vector<16xi32>], vector<16xf32>,
      %gather3A_317 = tpu.vector_load_idx %arg12[%add3A_234, %broadcast_in_dim3A_315] : memref<512x32xf32, #tpu.memory_space<vmem>>[vector<16xi32>, vector<16xi32>], vector<16xf32>,
      %mul3A_318 = arith.mulf %gather3A_316, %gather3A_317 : vector<16xf32>
      %add3A_319 = arith.addf %add3A_313, %mul3A_318 : vector<16xf32>
      %broadcast_in_dim3A_320 = arith.constant 14 : i32
      %broadcast_in_dim3A_321 = vector.broadcast %broadcast_in_dim3A_320 : i32 to vector<16xi32>
      %gather3A_322 = tpu.vector_load_idx %arg11[%add3A_234, %broadcast_in_dim3A_321] : memref<512x32xf32, #tpu.memory_space<vmem>>[vector<16xi32>, vector<16xi32>], vector<16xf32>,
      %gather3A_323 = tpu.vector_load_idx %arg12[%add3A_234, %broadcast_in_dim3A_321] : memref<512x32xf32, #tpu.memory_space<vmem>>[vector<16xi32>, vector<16xi32>], vector<16xf32>,
      %mul3A_324 = arith.mulf %gather3A_322, %gather3A_323 : vector<16xf32>
      %add3A_325 = arith.addf %add3A_319, %mul3A_324 : vector<16xf32>
      %broadcast_in_dim3A_326 = arith.constant 15 : i32
      %broadcast_in_dim3A_327 = vector.broadcast %broadcast_in_dim3A_326 : i32 to vector<16xi32>
      %gather3A_328 = tpu.vector_load_idx %arg11[%add3A_234, %broadcast_in_dim3A_327] : memref<512x32xf32, #tpu.memory_space<vmem>>[vector<16xi32>, vector<16xi32>], vector<16xf32>,
      %gather3A_329 = tpu.vector_load_idx %arg12[%add3A_234, %broadcast_in_dim3A_327] : memref<512x32xf32, #tpu.memory_space<vmem>>[vector<16xi32>, vector<16xi32>], vector<16xf32>,
      %mul3A_330 = arith.mulf %gather3A_328, %gather3A_329 : vector<16xf32>
      %add3A_331 = arith.addf %add3A_325, %mul3A_330 : vector<16xf32>
      %broadcast_in_dim3A_332 = arith.constant 16 : i32
      %broadcast_in_dim3A_333 = vector.broadcast %broadcast_in_dim3A_332 : i32 to vector<16xi32>
      %gather3A_334 = tpu.vector_load_idx %arg11[%add3A_234, %broadcast_in_dim3A_333] : memref<512x32xf32, #tpu.memory_space<vmem>>[vector<16xi32>, vector<16xi32>], vector<16xf32>,
      %gather3A_335 = tpu.vector_load_idx %arg12[%add3A_234, %broadcast_in_dim3A_333] : memref<512x32xf32, #tpu.memory_space<vmem>>[vector<16xi32>, vector<16xi32>], vector<16xf32>,
      %mul3A_336 = arith.mulf %gather3A_334, %gather3A_335 : vector<16xf32>
      %add3A_337 = arith.addf %add3A_331, %mul3A_336 : vector<16xf32>
      %broadcast_in_dim3A_338 = arith.constant 17 : i32
      %broadcast_in_dim3A_339 = vector.broadcast %broadcast_in_dim3A_338 : i32 to vector<16xi32>
      %gather3A_340 = tpu.vector_load_idx %arg11[%add3A_234, %broadcast_in_dim3A_339] : memref<512x32xf32, #tpu.memory_space<vmem>>[vector<16xi32>, vector<16xi32>], vector<16xf32>,
      %gather3A_341 = tpu.vector_load_idx %arg12[%add3A_234, %broadcast_in_dim3A_339] : memref<512x32xf32, #tpu.memory_space<vmem>>[vector<16xi32>, vector<16xi32>], vector<16xf32>,
      %mul3A_342 = arith.mulf %gather3A_340, %gather3A_341 : vector<16xf32>
      %add3A_343 = arith.addf %add3A_337, %mul3A_342 : vector<16xf32>
      %broadcast_in_dim3A_344 = arith.constant 18 : i32
      %broadcast_in_dim3A_345 = vector.broadcast %broadcast_in_dim3A_344 : i32 to vector<16xi32>
      %gather3A_346 = tpu.vector_load_idx %arg11[%add3A_234, %broadcast_in_dim3A_345] : memref<512x32xf32, #tpu.memory_space<vmem>>[vector<16xi32>, vector<16xi32>], vector<16xf32>,
      %gather3A_347 = tpu.vector_load_idx %arg12[%add3A_234, %broadcast_in_dim3A_345] : memref<512x32xf32, #tpu.memory_space<vmem>>[vector<16xi32>, vector<16xi32>], vector<16xf32>,
      %mul3A_348 = arith.mulf %gather3A_346, %gather3A_347 : vector<16xf32>
      %add3A_349 = arith.addf %add3A_343, %mul3A_348 : vector<16xf32>
      %broadcast_in_dim3A_350 = arith.constant 19 : i32
      %broadcast_in_dim3A_351 = vector.broadcast %broadcast_in_dim3A_350 : i32 to vector<16xi32>
      %gather3A_352 = tpu.vector_load_idx %arg11[%add3A_234, %broadcast_in_dim3A_351] : memref<512x32xf32, #tpu.memory_space<vmem>>[vector<16xi32>, vector<16xi32>], vector<16xf32>,
      %gather3A_353 = tpu.vector_load_idx %arg12[%add3A_234, %broadcast_in_dim3A_351] : memref<512x32xf32, #tpu.memory_space<vmem>>[vector<16xi32>, vector<16xi32>], vector<16xf32>,
      %mul3A_354 = arith.mulf %gather3A_352, %gather3A_353 : vector<16xf32>
      %add3A_355 = arith.addf %add3A_349, %mul3A_354 : vector<16xf32>
      %broadcast_in_dim3A_356 = arith.constant 20 : i32
      %broadcast_in_dim3A_357 = vector.broadcast %broadcast_in_dim3A_356 : i32 to vector<16xi32>
      %gather3A_358 = tpu.vector_load_idx %arg11[%add3A_234, %broadcast_in_dim3A_357] : memref<512x32xf32, #tpu.memory_space<vmem>>[vector<16xi32>, vector<16xi32>], vector<16xf32>,
      %gather3A_359 = tpu.vector_load_idx %arg12[%add3A_234, %broadcast_in_dim3A_357] : memref<512x32xf32, #tpu.memory_space<vmem>>[vector<16xi32>, vector<16xi32>], vector<16xf32>,
      %mul3A_360 = arith.mulf %gather3A_358, %gather3A_359 : vector<16xf32>
      %add3A_361 = arith.addf %add3A_355, %mul3A_360 : vector<16xf32>
      %broadcast_in_dim3A_362 = arith.constant 21 : i32
      %broadcast_in_dim3A_363 = vector.broadcast %broadcast_in_dim3A_362 : i32 to vector<16xi32>
      %gather3A_364 = tpu.vector_load_idx %arg11[%add3A_234, %broadcast_in_dim3A_363] : memref<512x32xf32, #tpu.memory_space<vmem>>[vector<16xi32>, vector<16xi32>], vector<16xf32>,
      %gather3A_365 = tpu.vector_load_idx %arg12[%add3A_234, %broadcast_in_dim3A_363] : memref<512x32xf32, #tpu.memory_space<vmem>>[vector<16xi32>, vector<16xi32>], vector<16xf32>,
      %mul3A_366 = arith.mulf %gather3A_364, %gather3A_365 : vector<16xf32>
      %add3A_367 = arith.addf %add3A_361, %mul3A_366 : vector<16xf32>
      %broadcast_in_dim3A_368 = arith.constant 22 : i32
      %broadcast_in_dim3A_369 = vector.broadcast %broadcast_in_dim3A_368 : i32 to vector<16xi32>
      %gather3A_370 = tpu.vector_load_idx %arg11[%add3A_234, %broadcast_in_dim3A_369] : memref<512x32xf32, #tpu.memory_space<vmem>>[vector<16xi32>, vector<16xi32>], vector<16xf32>,
      %gather3A_371 = tpu.vector_load_idx %arg12[%add3A_234, %broadcast_in_dim3A_369] : memref<512x32xf32, #tpu.memory_space<vmem>>[vector<16xi32>, vector<16xi32>], vector<16xf32>,
      %mul3A_372 = arith.mulf %gather3A_370, %gather3A_371 : vector<16xf32>
      %add3A_373 = arith.addf %add3A_367, %mul3A_372 : vector<16xf32>
      %broadcast_in_dim3A_374 = arith.constant 23 : i32
      %broadcast_in_dim3A_375 = vector.broadcast %broadcast_in_dim3A_374 : i32 to vector<16xi32>
      %gather3A_376 = tpu.vector_load_idx %arg11[%add3A_234, %broadcast_in_dim3A_375] : memref<512x32xf32, #tpu.memory_space<vmem>>[vector<16xi32>, vector<16xi32>], vector<16xf32>,
      %gather3A_377 = tpu.vector_load_idx %arg12[%add3A_234, %broadcast_in_dim3A_375] : memref<512x32xf32, #tpu.memory_space<vmem>>[vector<16xi32>, vector<16xi32>], vector<16xf32>,
      %mul3A_378 = arith.mulf %gather3A_376, %gather3A_377 : vector<16xf32>
      %add3A_379 = arith.addf %add3A_373, %mul3A_378 : vector<16xf32>
      %broadcast_in_dim3A_380 = arith.constant 24 : i32
      %broadcast_in_dim3A_381 = vector.broadcast %broadcast_in_dim3A_380 : i32 to vector<16xi32>
      %gather3A_382 = tpu.vector_load_idx %arg11[%add3A_234, %broadcast_in_dim3A_381] : memref<512x32xf32, #tpu.memory_space<vmem>>[vector<16xi32>, vector<16xi32>], vector<16xf32>,
      %gather3A_383 = tpu.vector_load_idx %arg12[%add3A_234, %broadcast_in_dim3A_381] : memref<512x32xf32, #tpu.memory_space<vmem>>[vector<16xi32>, vector<16xi32>], vector<16xf32>,
      %mul3A_384 = arith.mulf %gather3A_382, %gather3A_383 : vector<16xf32>
      %add3A_385 = arith.addf %add3A_379, %mul3A_384 : vector<16xf32>
      %broadcast_in_dim3A_386 = arith.constant 25 : i32
      %broadcast_in_dim3A_387 = vector.broadcast %broadcast_in_dim3A_386 : i32 to vector<16xi32>
      %gather3A_388 = tpu.vector_load_idx %arg11[%add3A_234, %broadcast_in_dim3A_387] : memref<512x32xf32, #tpu.memory_space<vmem>>[vector<16xi32>, vector<16xi32>], vector<16xf32>,
      %gather3A_389 = tpu.vector_load_idx %arg12[%add3A_234, %broadcast_in_dim3A_387] : memref<512x32xf32, #tpu.memory_space<vmem>>[vector<16xi32>, vector<16xi32>], vector<16xf32>,
      %mul3A_390 = arith.mulf %gather3A_388, %gather3A_389 : vector<16xf32>
      %add3A_391 = arith.addf %add3A_385, %mul3A_390 : vector<16xf32>
      %broadcast_in_dim3A_392 = arith.constant 26 : i32
      %broadcast_in_dim3A_393 = vector.broadcast %broadcast_in_dim3A_392 : i32 to vector<16xi32>
      %gather3A_394 = tpu.vector_load_idx %arg11[%add3A_234, %broadcast_in_dim3A_393] : memref<512x32xf32, #tpu.memory_space<vmem>>[vector<16xi32>, vector<16xi32>], vector<16xf32>,
      %gather3A_395 = tpu.vector_load_idx %arg12[%add3A_234, %broadcast_in_dim3A_393] : memref<512x32xf32, #tpu.memory_space<vmem>>[vector<16xi32>, vector<16xi32>], vector<16xf32>,
      %mul3A_396 = arith.mulf %gather3A_394, %gather3A_395 : vector<16xf32>
      %add3A_397 = arith.addf %add3A_391, %mul3A_396 : vector<16xf32>
      %broadcast_in_dim3A_398 = arith.constant 27 : i32
      %broadcast_in_dim3A_399 = vector.broadcast %broadcast_in_dim3A_398 : i32 to vector<16xi32>
      %gather3A_400 = tpu.vector_load_idx %arg11[%add3A_234, %broadcast_in_dim3A_399] : memref<512x32xf32, #tpu.memory_space<vmem>>[vector<16xi32>, vector<16xi32>], vector<16xf32>,
      %gather3A_401 = tpu.vector_load_idx %arg12[%add3A_234, %broadcast_in_dim3A_399] : memref<512x32xf32, #tpu.memory_space<vmem>>[vector<16xi32>, vector<16xi32>], vector<16xf32>,
      %mul3A_402 = arith.mulf %gather3A_400, %gather3A_401 : vector<16xf32>
      %add3A_403 = arith.addf %add3A_397, %mul3A_402 : vector<16xf32>
      %broadcast_in_dim3A_404 = arith.constant 28 : i32
      %broadcast_in_dim3A_405 = vector.broadcast %broadcast_in_dim3A_404 : i32 to vector<16xi32>
      %gather3A_406 = tpu.vector_load_idx %arg11[%add3A_234, %broadcast_in_dim3A_405] : memref<512x32xf32, #tpu.memory_space<vmem>>[vector<16xi32>, vector<16xi32>], vector<16xf32>,
      %gather3A_407 = tpu.vector_load_idx %arg12[%add3A_234, %broadcast_in_dim3A_405] : memref<512x32xf32, #tpu.memory_space<vmem>>[vector<16xi32>, vector<16xi32>], vector<16xf32>,
      %mul3A_408 = arith.mulf %gather3A_406, %gather3A_407 : vector<16xf32>
      %add3A_409 = arith.addf %add3A_403, %mul3A_408 : vector<16xf32>
      %broadcast_in_dim3A_410 = arith.constant 29 : i32
      %broadcast_in_dim3A_411 = vector.broadcast %broadcast_in_dim3A_410 : i32 to vector<16xi32>
      %gather3A_412 = tpu.vector_load_idx %arg11[%add3A_234, %broadcast_in_dim3A_411] : memref<512x32xf32, #tpu.memory_space<vmem>>[vector<16xi32>, vector<16xi32>], vector<16xf32>,
      %gather3A_413 = tpu.vector_load_idx %arg12[%add3A_234, %broadcast_in_dim3A_411] : memref<512x32xf32, #tpu.memory_space<vmem>>[vector<16xi32>, vector<16xi32>], vector<16xf32>,
      %mul3A_414 = arith.mulf %gather3A_412, %gather3A_413 : vector<16xf32>
      %add3A_415 = arith.addf %add3A_409, %mul3A_414 : vector<16xf32>
      %broadcast_in_dim3A_416 = arith.constant 30 : i32
      %broadcast_in_dim3A_417 = vector.broadcast %broadcast_in_dim3A_416 : i32 to vector<16xi32>
      %gather3A_418 = tpu.vector_load_idx %arg11[%add3A_234, %broadcast_in_dim3A_417] : memref<512x32xf32, #tpu.memory_space<vmem>>[vector<16xi32>, vector<16xi32>], vector<16xf32>,
      %gather3A_419 = tpu.vector_load_idx %arg12[%add3A_234, %broadcast_in_dim3A_417] : memref<512x32xf32, #tpu.memory_space<vmem>>[vector<16xi32>, vector<16xi32>], vector<16xf32>,
      %mul3A_420 = arith.mulf %gather3A_418, %gather3A_419 : vector<16xf32>
      %add3A_421 = arith.addf %add3A_415, %mul3A_420 : vector<16xf32>
      %broadcast_in_dim3A_422 = arith.constant 31 : i32
      %broadcast_in_dim3A_423 = vector.broadcast %broadcast_in_dim3A_422 : i32 to vector<16xi32>
      %gather3A_424 = tpu.vector_load_idx %arg11[%add3A_234, %broadcast_in_dim3A_423] : memref<512x32xf32, #tpu.memory_space<vmem>>[vector<16xi32>, vector<16xi32>], vector<16xf32>,
      %gather3A_425 = tpu.vector_load_idx %arg12[%add3A_234, %broadcast_in_dim3A_423] : memref<512x32xf32, #tpu.memory_space<vmem>>[vector<16xi32>, vector<16xi32>], vector<16xf32>,
      %mul3A_426 = arith.mulf %gather3A_424, %gather3A_425 : vector<16xf32>
      %add3A_427 = arith.addf %add3A_421, %mul3A_426 : vector<16xf32>
      tpu.vector_store_idx %arg15[%add3A_234], %add3A_427 : memref<512xf32, #tpu.memory_space<vmem>>[vector<16xi32>], vector<16xf32>,
    }
    %scan3A_229 = arith.constant 32 : i32
    "tpu.region"() ({
      %run_scoped3A = tpu.sem_alloc : memref<!tpu.dma_semaphore, #tpu.memory_space<semaphore_mem>>
      %dma_start3A_230 = tpu.memref_slice %arg8[%mul3A_2] : memref<16384xf32, #tpu.memory_space<hbm>> -> memref<512xf32, #tpu.memory_space<hbm>>
      %dma_start3A_231 = tpu.memref_slice %arg8[%mul3A_2] : memref<16384xf32, #tpu.memory_space<hbm>> -> memref<512xf32, #tpu.memory_space<hbm>>
      tpu.enqueue_dma source(%arg15 : memref<512xf32, #tpu.memory_space<vmem>>) target(%dma_start3A_231 : memref<512xf32, #tpu.memory_space<hbm>>) target_semaphore(%run_scoped3A : memref<!tpu.dma_semaphore, #tpu.memory_space<semaphore_mem>>)
      %dma_wait3A_232 = tpu.memref_slice %arg8[%mul3A_2] : memref<16384xf32, #tpu.memory_space<hbm>> -> memref<512xf32, #tpu.memory_space<hbm>>
      %dma_wait3A_233 = tpu.memref_slice %arg8[%mul3A_2] : memref<16384xf32, #tpu.memory_space<hbm>> -> memref<512xf32, #tpu.memory_space<hbm>>
      tpu.wait_dma2 semaphore(%run_scoped3A : memref<!tpu.dma_semaphore, #tpu.memory_space<semaphore_mem>>) src(%arg15 : memref<512xf32, #tpu.memory_space<vmem>>) dst(%dma_wait3A_233 : memref<512xf32, #tpu.memory_space<hbm>>)
      tpu.yield
    }) : () -> ()
    return
  }
}

</mosaic_0001>

<sc_bundles>
// kernel: kernel.3.cloned.1.call-start
scs
__scs_entry_jumppad:
0x0: {  	(pc) =	sbr.rel $0x88, $3  }
0x1: {  	(tag) =	ssettag $0x0;
	lr =	simm.s32 $0x1  }
0x2: {  	[smem:$0x3F9B] =	sst lr;
	_ =	strace $0xD0000000  }
0x3: {  	_ = 	snop  }
0x4: {  	_ = 	snop  }
0x5: {  	_ = 	snop  }
0x6: {  	_ = 	snop  }
0x7: {  	_ = 	snop  }
__scs_overlays_trampoline_lowered:
0x8: {  	[smem:$0x3FAA] =	sst s0  }
0x9: {  	[smem:$0x3FAB] =	sst s1  }
0xa: {  	[smem:$0x3FAC] =	sst s2  }
0xb: {  	[smem:$0x3FAD] =	sst s3  }
0xc: {  	[smem:$0x3FAE] =	sst s4  }
0xd: {  	[smem:$0x3FAF] =	sst s5  }
0xe: {  	[smem:$0x3FB0] =	sst s6  }
0xf: {  	[smem:$0x3FB1] =	sst s7  }
0x10: {  	[smem:$0x3FB2] =	sst s8  }
0x11: {  	[smem:$0x3FB3] =	sst s9;
	s0 =	simm.s32 @!p0 $0x0  }
0x12: {  	s1 =	sld [smem:$0x3F99];
	s0 =	simm.s32 @p0 $0x1  }
0x13: {  	[smem:$0x3FB4] =	sst s0;
	s0 =	simm.s32 @!p1 $0x0  }
0x14: {  	s2 =	sld [smem:$0x3F98];
	s0 =	simm.s32 @p1 $0x1  }
0x15: {  	[smem:$0x3FB5] =	sst s0;
	s0 =	simm.s32 @!p2 $0x0  }
0x16: {  	s3 =	sld [smem:$0x3FDB];
	s0 =	simm.s32 @p2 $0x1  }
0x17: {  	s4 =	simm.s32 $0x1BF5;
	[smem:$0x3FB7] =	sst s0  }
0x18: {  	s0 =	sld [smem:$0x3F9A];
	_ =	swait.ge [sflag:s4], $0x0  }
0x19: {  	s7 =	sld [smem:$0x3F9B]  }
0x1a: {  	s8 =	sadd.s32 $0xFFFFE003, lr  }
0x1b: {  	s9 =	sadd.s32 $0xFFFFFEF7, lr;
	s5 =	simm.s32 $0xFFFFFFFF;
	p2 =	slt.u32 s8, $0xFFFFF086  }
0x1c: {  	p1 =	slt.u32 s9, $0xF7A;
	s5 =	simm.s32 @!p2 $0x0  }
0x1d: {  	s5 =	simm.s32 @p1 $0x1;
	p0 =	seq.s32 s7, s2  }
0x1e: {  	s7 =	smul.u32 @!p0 $0xF7A, s2;
	p2 =	seq.s32 @!p0 s5, $0x0  }
0x1f: {  	s9 =	smul.u32 $0xF7A, s1;
	s8 =	simm.s32 @!p0 $0x1BF5;
	p2 =	por !p2, p0  }
0x20: {  	[sflag:s8] =	ssyncset.s32 @!p0 $0xFFFFF086;
	s6 =	sadd.s32 @!p0 s3, s7;
	s7 =	simm.s32 @!p0 $0x108  }
0x21: {  	s3 =	sadd.s32 s3, s9;
	s6 =	sadd.s32 @!p0 $0x88, s6;
	s7 =	simm.s32 @p2 $0x1082  }
0x22: {  	[simem:s7], [sflag:s8] =	dma.local @!p0 [hbm:s6], $0xF7A  }
0x23: {  	s9 =	sor.u32 $0xD0000000, s2;
	s6 =	simm.s32 $0x108;
	_ =	swait.ge @!p0 [sflag:s8], $0x0  }
0x24: {  	s3 =	sadd.s32 $0x88, s3;
	s6 =	simm.s32 @!p1 $0x1082;
	[sflag:s4] =	ssyncset.s32 $0xFFFFF086  }
0x25: {  	[simem:s6], [sflag:s4] =	dma.local [hbm:s3], $0xF7A  }
0x26: {  	[smem:$0x3F9B] =	sst s1;
	(tag) =	ssettag s2;
	_ =	strace s9  }
0x27: {  	s1 =	sld [smem:$0x3FAB]  }
0x28: {  	s2 =	sld [smem:$0x3FAC]  }
0x29: {  	s4 =	sld [smem:$0x3FAE]  }
0x2a: {  	p0 =	seq.s32 s5, $0x0;
	s5 =	sld [smem:$0x3FAF]  }
0x2b: {  	s6 =	sld [smem:$0x3FB0]  }
0x2c: {  	s7 =	sld [smem:$0x3FB1]  }
0x2d: {  	s3 =	simm.s32 $0x108;
	s8 =	sld [smem:$0x3FB2]  }
0x2e: {  	s3 =	simm.s32 @!p0 $0x1082;
	s9 =	sld [smem:$0x3FB3]  }
0x2f: {  	lr =	sadd.s32 s0, s3;
	s0 =	sld [smem:$0x3FAA]  }
0x30: {  	s3 =	sld [smem:$0x3FAD]  }
0x31: {  	[smem:$0x3FB6] =	sst s10  }
0x32: {  	s10 =	sld [smem:$0x3FB4];
	_ =	sdelay $0x3  }
0x33: {  	p0 =	seq.s32 s10, $0x1;
	s10 =	sld [smem:$0x3FB6];
	_ =	sdelay $0x3  }
0x34: {  	[smem:$0x3FB6] =	sst s10  }
0x35: {  	s10 =	sld [smem:$0x3FB5];
	_ =	sdelay $0x3  }
0x36: {  	p1 =	seq.s32 s10, $0x1;
	s10 =	sld [smem:$0x3FB6];
	_ =	sdelay $0x3  }
0x37: {  	[smem:$0x3FB6] =	sst s10  }
0x38: {  	s10 =	sld [smem:$0x3FB7]  }
0x39: {  	_ = 	snop;
	(pc) =	sbr.ind lr, $3  }
0x3a: {  	_ = 	snop  }
0x3b: {  	_ = 	snop  }
0x3c: {  	p2 =	seq.s32 s10, $0x1;
	s10 =	sld [smem:$0x3FB6]  }
0x3d: {  	_ =	shalt  }
0x3e: {  	_ =	shalt  }
0x3f: {  	_ =	shalt  }
0x40: {  	_ =	shalt  }
0x41: {  	_ =	shalt  }
0x42: {  	_ =	shalt  }
0x43: {  	_ =	shalt  }
0x44: {  	_ =	shalt  }
0x45: {  	_ =	shalt  }
0x46: {  	_ =	shalt  }
0x47: {  	_ =	shalt  }
0x48: {  	_ =	shalt  }
0x49: {  	_ =	shalt  }
0x4a: {  	_ =	shalt  }
0x4b: {  	_ =	shalt  }
0x4c: {  	_ =	shalt  }
0x4d: {  	_ =	shalt  }
0x4e: {  	_ =	shalt  }
0x4f: {  	_ =	shalt  }
0x50: {  	_ =	shalt  }
0x51: {  	_ =	shalt  }
0x52: {  	_ =	shalt  }
0x53: {  	_ =	shalt  }
0x54: {  	_ =	shalt  }
0x55: {  	_ =	shalt  }
0x56: {  	_ =	shalt  }
0x57: {  	_ =	shalt  }
0x58: {  	_ =	shalt  }
0x59: {  	_ =	shalt  }
0x5a: {  	_ =	shalt  }
0x5b: {  	_ =	shalt  }
0x5c: {  	_ =	shalt  }
0x5d: {  	_ =	shalt  }
0x5e: {  	_ =	shalt  }
0x5f: {  	_ =	shalt  }
0x60: {  	_ =	shalt  }
0x61: {  	_ =	shalt  }
0x62: {  	_ =	shalt  }
0x63: {  	_ =	shalt  }
0x64: {  	_ =	shalt  }
0x65: {  	_ =	shalt  }
0x66: {  	_ =	shalt  }
0x67: {  	_ =	shalt  }
0x68: {  	_ =	shalt  }
0x69: {  	_ =	shalt  }
0x6a: {  	_ =	shalt  }
0x6b: {  	_ =	shalt  }
0x6c: {  	_ =	shalt  }
0x6d: {  	_ =	shalt  }
0x6e: {  	_ =	shalt  }
0x6f: {  	_ =	shalt  }
0x70: {  	_ =	shalt  }
0x71: {  	_ =	shalt  }
0x72: {  	_ =	shalt  }
0x73: {  	_ =	shalt  }
0x74: {  	_ =	shalt  }
0x75: {  	_ =	shalt  }
0x76: {  	_ =	shalt  }
0x77: {  	_ =	shalt  }
0x78: {  	_ =	shalt  }
0x79: {  	_ =	shalt  }
0x7a: {  	_ =	shalt  }
0x7b: {  	_ =	shalt  }
0x7c: {  	_ =	shalt  }
0x7d: {  	_ =	shalt  }
0x7e: {  	_ =	shalt  }
0x7f: {  	_ =	shalt  }
0x80: {  	_ =	shalt  }
0x81: {  	_ =	shalt  }
0x82: {  	_ =	shalt  }
0x83: {  	_ =	shalt  }
0x84: {  	_ =	shalt  }
0x85: {  	_ =	shalt  }
0x86: {  	_ =	shalt  }
0x87: {  	_ =	shalt  }
.Lfunc_end0:
.L_simem_size_0:
called_computation_lowered:
.L_overlay_start_0:
0x88: {  	s2 =	sld [smem:$0x3FD9]  }
0x89: {  	s3 =	sld [smem:$0x3FFE];
	_ =	sdelay $0x1  }
0x8a: {  	s1 =	srdreg.scid  }
0x8b: {  	s0 =	sand.u32 $0x1, s1  }
0x8c: {  	s17 =	sshll.u32 s0, $0xA;
	s2 =	sadd.s32 s3, s2  }
0x8d: {  	s2 =	sadd.s32 s2, s17  }
0x8e: {  	[smem:$0x3FC2] =	sst s2  }
0x8f: {  	_ = 	snop  }
0x90: {  	s2 =	sld [smem:$0x3FC9]  }
0x91: {  	s18 =	sld [smem:$0x3FC8]  }
0x92: {  	s4 =	sld [smem:$0x3FD0];
	(tm) =	ssettm $0x1  }
0x93: {  	s5 =	sld [smem:$0x3FFB];
	_ =	sdelay $0x3  }
0x94: {  	_ =	strace s5  }
0x95: {  	s5 =	sld [smem:$0x3FFC];
	_ =	sdelay $0x3  }
0x96: {  	_ =	strace s5  }
0x97: {  	s5 =	sld [smem:$0x3FFD];
	_ =	sdelay $0x3  }
0x98: {  	_ =	strace s5  }
0x99: {  	_ =	strace $0x8FFFFFFF  }
0x9a: {  	s19 =	sld [smem:$0x3FDB];
	_ =	sdelay $0x1  }
0x9b: {  	s6 =	simm.s32 $_scs_section_size  }
0x9c: {  	s7 =	simm.s32 $_size__tile_overlayer_lowered;
	s8 =	simm.s32 $_tile_overlayer_lowered  }
0x9d: {  	s22 =	simm.s32 $0x1BFF;
	s21 =	sshll.u32 s8, $0x1;
	s5 =	sadd.s32 s6, s19  }
0x9e: {  	s9 =	simm.s32 $0x0;
	s20 =	sshll.u32 s7, $0x1;
	s7 =	sadd.s32 s21, s5  }
0x9f: {  	[timem:s9], [sflag:s22] =	dma.local [hbm:s7], s20  }
0xa0: {  	_ =	swait.ge [sflag:s22], s20  }
0xa1: {  	s6 =	ssub.s32 $0x0, s20;
	[sflag:s22] =	ssyncset.done $0x0  }
0xa2: {  	[sflag:s22] =	ssyncadd.s32 s6;
	_ =	sdelay $0x1  }
0xa3: {  	s23 =	simm.s32 $0x1B8B  }
0xa4: {  	_ =	swait.ge [sflag:s23], $0x1  }
0xa5: {  	[sflag:s23] =	ssyncset.done $0x0  }
0xa6: {  	s25 =	simm.s32 $0x1B8E;
	s24 =	sld [smem:$0x3FFE];
	[sflag:s23] =	ssyncadd.s32 $0xFFFFFFFF  }
0xa7: {  	s26 =	simm.s32 $execute0_lowered;
	[smem:$0x3FD2] =	sst s25  }
0xa8: {  	s7 =	sshll.u32 s26, $0x1;
	_ =	strace $0x80000046;
	[dreg:$0x1] =	wrdreg $0xFFFFFFFF  }
0xa9: {  	s28 =	simm.s32 $_size_execute0_lowered;
	s5 =	sadd.s32 s5, s7;
	[dreg:$0x0] =	wrdreg $0x0  }
0xaa: {  	s7 =	sshll.u32 s28, $0x1;
	[dreg:$0x2] =	wrdreg s5  }
0xab: {  	[dreg:$0x3] =	wrdreg s7  }
0xac: {  	[dreg:$0x4] =	wrdreg $0xC0  }
0xad: {  	_ =	task [dreg:s9], $0x5FFFF  }
0xae: {  	[dreg:$0x1] =	wrdreg $0xFFFFFFFF  }
0xaf: {  	[dreg:$0x0] =	wrdreg $0x60  }
0xb0: {  	[dreg:$0x2] =	wrdreg s2  }
0xb1: {  	[dreg:$0x3] =	wrdreg s18  }
0xb2: {  	[dreg:$0x4] =	wrdreg s24  }
0xb3: {  	[dreg:$0x5] =	wrdreg s4  }
0xb4: {  	[dreg:$0x6] =	wrdreg $0x9  }
0xb5: {  	_ =	task.clear_ibuf [dreg:s9], $0x7FFFF;
	_ =	strace $0x90000046  }
0xb6: {  	s29 =	simm.s32 $0x9;
	_ =	strace $0x80000048  }
0xb7: {  	_ =	swait.ge [sflag:s29], $0x1  }
0xb8: {  	[sflag:s29] =	ssyncadd.s32 $0xFFFFFFFF  }
0xb9: {  	_ =	strace $0x90000048  }
0xba: {  	_ =	sfence  }
0xbb: {  	s30 =	sld [smem:$0x0];
	_ =	sdelay $0x2  }
0xbc: {  	s31 =	sshll.u32 s1, $0xD;
	s1 =	sshrl.u32 s1, $0x2  }
0xbd: {  	s3 =	sand.u32 $0x4000, s31;
	s1 =	sadd.s32 s1, s30  }
0xbe: {  	s0 =	sor.u32 s3, s0;
	s1 =	sshll.u32 s1, $0x11  }
0xbf: {  	s0 =	sor.u32 s1, s0  }
0xc0: {  	s0 =	sadd.s32 $0x8F2B, s0  }
0xc1: {  	[sflag:s0] =	ssyncadd.remote.s32 $0x1  }
0xc2: {  	_ =	sfence.sel $0xFFFF  }
0xc3: {  	[dreg:$0x0] =	wrdreg $0xFFFFFFFF;
	(pc) =	sbr.abs _section_cstart, $3  }
0xc4: {  	[dreg:$0x1] =	wrdreg $0xFFFFFFFF  }
0xc5: {  	_ =	task.clear_ibuf [dreg:s9], $0x2FFFF;
	_ =	strace $0x9FFFFFFF  }
0xc6: {  	(tm) =	ssettm $0x7FFFFFFF  }
0xc7: {  	_ =	shalt  }
tec
execute0_lowered:
.L_overlay_start_1:
0x0: {  	(tag) =	ssettag $0x1  }
0x1: {  	s0 =	rddreg [dreg:$0x0]  }
0x2: {  	s3 =	rddreg [dreg:$0x1]  }
0x3: {  	s1 =	rddreg [dreg:$0x2]  }
0x4: {  	s9 =	rddreg [dreg:$0x3];
	s2 =	simm.s32 $0x0  }
0x5: {  	s5 =	srdreg.scid;
	s6 =	stileid.u32;
	s12 =	simm.s32 $0x200  }
0x6: {  	s13 =	simm.s32 $0x80;
	s14 =	simm.s32 $0x400;
	s15 =	simm.s32 $0x4400  }
0x7: {  	s16 =	simm.s32 $0x8400;
	s17 =	simm.s32 $0x8600;
	s19 =	simm.s32 $0x280  }
0x8: {  	s23 =	simm.s32 $0x100;
	s25 =	simm.s32 $0x300;
	s28 =	simm.s32 $0x8500  }
0x9: {  	s29 =	simm.s32 $0x8700;
	s30 =	simm.s32 $0x180;
	s31 =	simm.s32 $0x3400  }
0xa: {  	s18 =	simm.s32 $0x8580;
	s20 =	simm.s32 $0x8780;
	s21 =	simm.s32 $0x1  }
0xb: {  	s22 =	simm.s32 $0x8800;
	s24 =	simm.s32 $0x0;
	[smem:$0x7FF] =	sst s2  }
0xc: {  	s4 =	sadd.s32 $0x1312E00, s1;
	s5 =	sand.u32 $0x1, s5;
	s6 =	sshll.u32 s6, $0x7  }
0xd: {  	_ =	strace $0x80000047;
	s7 =	ssub.s32 $0x2, s5;
	s8 =	sshll.u32 s5, $0x6  }
0xe: {  	s5 =	sadd.s32 $0x1EA00, s1;
	s10 =	sshrl.u32 s7, $0x1;
	s11 =	sor.u32 s8, s6  }
0xf: {  	s6 =	sadd.s32 $0xF42400, s1;
	s10 =	ssub.s32 s7, s10;
	s7 =	sadd.s32 s0, s11  }
0x10: {  	v0 =	vlaneseq.u32;
	s8 =	sadd.s32 s3, s11;
	s9 =	sadd.s32 s9, s11;
	s11 =	simm.s32 $0x2  }
0x11: {  	v1 =	vor.u32 $0xFFFFFFF8, v0;
	s0 =	simm.s32 $0x380;
	s3 =	simm.s32 $0x7400;
	s10 =	smax.u32 s10, $0x1  }
.LBB2_1:
0x12: {  	[tilespmem:s2], [sflag:$0x2] =	stream.linear.gather [hbm4b:s7+s2], $0x200, $0x38;
	[tilespmem:$0x8A00] =	vst v63  }
0x13: {  	_ =	swait.ge [sflag:s11], $0x200  }
0x14: {  	[sflag:s11] =	ssyncset.done $0x0  }
0x15: {  	[sflag:s11] =	ssyncadd.s32 $0xFFFFFE00  }
0x16: {  	[tilespmem:s12], [sflag:$0x2] =	stream.linear.gather [hbm4b:s8+s2], $0x200, $0x38;
	[tilespmem:$0x8A00] =	vst v63  }
0x17: {  	_ =	swait.ge [sflag:s11], $0x200  }
0x18: {  	[sflag:s11] =	ssyncset.done $0x0  }
0x19: {  	[sflag:s11] =	ssyncadd.s32 $0xFFFFFE00  }
0x1a: {  	[tilespmem:s14], [sflag:$0x1] =	stream.indirect.gather [hbm4b:s4+s13], $0x20, s2, s13, $0xb8;
	[tilespmem:$0x8A00] =	vst v63  }
0x1b: {  	_ = 	snop  }
0x1c: {  	[tilespmem:s15], [sflag:$0x1] =	stream.indirect.gather [hbm4b:s6+s13], $0x20, s12, s13, $0xb8;
	[tilespmem:$0x8A00] =	vst v63  }
0x1d: {  	_ = 	snop  }
0x1e: {  	[tilespmem:s16], [sflag:$0x1] =	stream.indirect.gather [hbm4b:s5+s13], $0x1, s2, s13, $0xb8;
	[tilespmem:$0x8A00] =	vst v63  }
0x1f: {  	_ = 	snop  }
0x20: {  	[tilespmem:s17], [sflag:$0x1] =	stream.indirect.gather [hbm4b:s1+s13], $0x1, s12, s13, $0xb8;
	[tilespmem:$0x8A00] =	vst v63  }
0x21: {  	s26 =	simm.s32 $0x1400  }
0x22: {  	[tilespmem:s26], [sflag:$0x1] =	stream.indirect.gather [hbm4b:s4+s13], $0x20, s13, s13, $0xb8;
	[tilespmem:$0x8A00] =	vst v63  }
0x23: {  	s26 =	simm.s32 $0x5400  }
0x24: {  	[tilespmem:s26], [sflag:$0x1] =	stream.indirect.gather [hbm4b:s6+s13], $0x20, s19, s13, $0xb8;
	[tilespmem:$0x8A00] =	vst v63  }
0x25: {  	s26 =	simm.s32 $0x8480  }
0x26: {  	[tilespmem:s26], [sflag:$0x1] =	stream.indirect.gather [hbm4b:s5+s13], $0x1, s13, s13, $0xb8;
	[tilespmem:$0x8A00] =	vst v63  }
0x27: {  	s26 =	simm.s32 $0x8680  }
0x28: {  	[tilespmem:s26], [sflag:$0x1] =	stream.indirect.gather [hbm4b:s1+s13], $0x1, s19, s13, $0xb8;
	[tilespmem:$0x8A00] =	vst v63  }
0x29: {  	s26 =	simm.s32 $0x2400  }
0x2a: {  	[tilespmem:s26], [sflag:$0x1] =	stream.indirect.gather [hbm4b:s4+s13], $0x20, s23, s13, $0xb8;
	[tilespmem:$0x8A00] =	vst v63  }
0x2b: {  	s26 =	simm.s32 $0x6400  }
0x2c: {  	[tilespmem:s26], [sflag:$0x1] =	stream.indirect.gather [hbm4b:s6+s13], $0x20, s25, s13, $0xb8;
	[tilespmem:$0x8A00] =	vst v63  }
0x2d: {  	_ = 	snop  }
0x2e: {  	[tilespmem:s28], [sflag:$0x1] =	stream.indirect.gather [hbm4b:s5+s13], $0x1, s23, s13, $0xb8;
	[tilespmem:$0x8A00] =	vst v63  }
0x2f: {  	_ = 	snop  }
0x30: {  	[tilespmem:s29], [sflag:$0x1] =	stream.indirect.gather [hbm4b:s1+s13], $0x1, s25, s13, $0xb8;
	[tilespmem:$0x8A00] =	vst v63  }
0x31: {  	_ = 	snop  }
0x32: {  	[tilespmem:s31], [sflag:$0x1] =	stream.indirect.gather [hbm4b:s4+s13], $0x20, s30, s13, $0xb8;
	[tilespmem:$0x8A00] =	vst v63  }
0x33: {  	_ = 	snop  }
0x34: {  	[tilespmem:s3], [sflag:$0x1] =	stream.indirect.gather [hbm4b:s6+s13], $0x20, s0, s13, $0xb8;
	[tilespmem:$0x8A00] =	vst v63  }
0x35: {  	_ = 	snop  }
0x36: {  	[tilespmem:s18], [sflag:$0x1] =	stream.indirect.gather [hbm4b:s5+s13], $0x1, s30, s13, $0xb8;
	[tilespmem:$0x8A00] =	vst v63  }
0x37: {  	_ = 	snop  }
0x38: {  	[tilespmem:s20], [sflag:$0x1] =	stream.indirect.gather [hbm4b:s1+s13], $0x1, s0, s13, $0xb8;
	[tilespmem:$0x8A00] =	vst v63  }
0x39: {  	_ =	swait.ge [sflag:s21], $0x1000  }
0x3a: {  	[sflag:s21] =	ssyncset.done $0x0  }
0x3b: {  	[sflag:s21] =	ssyncadd.s32 $0xFFFFF000  }
0x3c: {  	_ =	swait.ge [sflag:s21], $0x1000  }
0x3d: {  	[sflag:s21] =	ssyncset.done $0x0  }
0x3e: {  	[sflag:s21] =	ssyncadd.s32 $0xFFFFF000  }
0x3f: {  	_ =	swait.ge [sflag:s21], $0x80  }
0x40: {  	[sflag:s21] =	ssyncset.done $0x0  }
0x41: {  	[sflag:s21] =	ssyncadd.s32 $0xFFFFFF80  }
0x42: {  	_ =	swait.ge [sflag:s21], $0x80  }
0x43: {  	[sflag:s21] =	ssyncset.done $0x0  }
0x44: {  	[sflag:s21] =	ssyncadd.s32 $0xFFFFFF80  }
0x45: {  	_ =	swait.ge [sflag:s21], $0x1000  }
0x46: {  	[sflag:s21] =	ssyncset.done $0x0  }
0x47: {  	[sflag:s21] =	ssyncadd.s32 $0xFFFFF000  }
0x48: {  	_ =	swait.ge [sflag:s21], $0x1000  }
0x49: {  	[sflag:s21] =	ssyncset.done $0x0  }
0x4a: {  	[sflag:s21] =	ssyncadd.s32 $0xFFFFF000  }
0x4b: {  	_ =	swait.ge [sflag:s21], $0x80  }
0x4c: {  	[sflag:s21] =	ssyncset.done $0x0  }
0x4d: {  	[sflag:s21] =	ssyncadd.s32 $0xFFFFFF80  }
0x4e: {  	_ =	swait.ge [sflag:s21], $0x80  }
0x4f: {  	[sflag:s21] =	ssyncset.done $0x0  }
0x50: {  	[sflag:s21] =	ssyncadd.s32 $0xFFFFFF80  }
0x51: {  	_ =	swait.ge [sflag:s21], $0x1000  }
0x52: {  	[sflag:s21] =	ssyncset.done $0x0  }
0x53: {  	[sflag:s21] =	ssyncadd.s32 $0xFFFFF000  }
0x54: {  	_ =	swait.ge [sflag:s21], $0x1000  }
0x55: {  	[sflag:s21] =	ssyncset.done $0x0  }
0x56: {  	[sflag:s21] =	ssyncadd.s32 $0xFFFFF000  }
0x57: {  	_ =	swait.ge [sflag:s21], $0x80  }
0x58: {  	[sflag:s21] =	ssyncset.done $0x0  }
0x59: {  	[sflag:s21] =	ssyncadd.s32 $0xFFFFFF80  }
0x5a: {  	_ =	swait.ge [sflag:s21], $0x80  }
0x5b: {  	[sflag:s21] =	ssyncset.done $0x0  }
0x5c: {  	[sflag:s21] =	ssyncadd.s32 $0xFFFFFF80  }
0x5d: {  	_ =	swait.ge [sflag:s21], $0x1000  }
0x5e: {  	[sflag:s21] =	ssyncset.done $0x0  }
0x5f: {  	[sflag:s21] =	ssyncadd.s32 $0xFFFFF000  }
0x60: {  	_ =	swait.ge [sflag:s21], $0x1000  }
0x61: {  	[sflag:s21] =	ssyncset.done $0x0  }
0x62: {  	[sflag:s21] =	ssyncadd.s32 $0xFFFFF000  }
0x63: {  	v3 =	vor.u32 s2, v0;
	_ =	swait.ge [sflag:s21], $0x80  }
0x64: {  	v2 =	vand.u32 v1, v3;
	[sflag:s21] =	ssyncset.done $0x0  }
0x65: {  	[sflag:s21] =	ssyncadd.s32 $0xFFFFFF80  }
0x66: {  	v3 =	vshll.u32 v3, $0x5;
	_ =	swait.ge [sflag:s21], $0x80  }
0x67: {  	[sflag:s21] =	ssyncset.done $0x0  }
0x68: {  	v4 =	vor.u32 $0x1, v3;
	[sflag:s21] =	ssyncadd.s32 $0xFFFFFF80  }
0x69: {  	v5 =	vld.idx.msk [tilespmem:v2+s17+$0x0], $0xffff  }
0x6a: {  	v7 =	vor.u32 $0x2, v3;
	v6 =	vld.idx.msk [tilespmem:v2+s16+$0x0], $0xffff  }
0x6b: {  	v8 =	vld.idx.msk [tilespmem:v3+s14+$0x0], $0xffff  }
0x6c: {  	v10 =	vor.u32 $0x3, v3;
	v9 =	vld.idx.msk [tilespmem:v3+s15+$0x0], $0xffff  }
0x6d: {  	v11 =	vld.idx.msk [tilespmem:v4+s14+$0x0], $0xffff  }
0x6e: {  	v12 =	vor.u32 $0x4, v3;
	v4 =	vld.idx.msk [tilespmem:v4+s15+$0x0], $0xffff  }
0x6f: {  	v13 =	vld.idx.msk [tilespmem:v7+s14+$0x0], $0xffff  }
0x70: {  	v14 =	vor.u32 $0x5, v3;
	v7 =	vld.idx.msk [tilespmem:v7+s15+$0x0], $0xffff  }
0x71: {  	v15 =	vld.idx.msk [tilespmem:v10+s14+$0x0], $0xffff;
	v5 =	vadd.f32 v5, v6;
	v6 =	vmul.f32 v9, v8  }
0x72: {  	v48 =	vor.u32 $0x6, v3;
	v47 =	vld.idx.msk [tilespmem:v10+s15+$0x0], $0xffff  }
0x73: {  	v49 =	vld.idx.msk [tilespmem:v12+s14+$0x0], $0xffff;
	v4 =	vmul.f32 v4, v11;
	v5 =	vadd.f32 v6, v5  }
0x74: {  	v50 =	vor.u32 $0x7, v3;
	v6 =	vld.idx.msk [tilespmem:v12+s15+$0x0], $0xffff  }
0x75: {  	v51 =	vld.idx.msk [tilespmem:v14+s14+$0x0], $0xffff;
	v4 =	vadd.f32 v4, v5;
	v5 =	vmul.f32 v7, v13  }
0x76: {  	v52 =	vor.u32 $0x8, v3;
	v7 =	vld.idx.msk [tilespmem:v14+s15+$0x0], $0xffff  }
0x77: {  	v53 =	vld.idx.msk [tilespmem:v48+s14+$0x0], $0xffff;
	v4 =	vadd.f32 v5, v4;
	v5 =	vmul.f32 v47, v15  }
0x78: {  	v55 =	vor.u32 $0x9, v3;
	v54 =	vld.idx.msk [tilespmem:v48+s15+$0x0], $0xffff  }
0x79: {  	v56 =	vld.idx.msk [tilespmem:v50+s14+$0x0], $0xffff;
	v4 =	vadd.f32 v5, v4;
	v5 =	vmul.f32 v6, v49  }
0x7a: {  	v57 =	vor.u32 $0xA, v3;
	v6 =	vld.idx.msk [tilespmem:v50+s15+$0x0], $0xffff  }
0x7b: {  	v58 =	vld.idx.msk [tilespmem:v52+s14+$0x0], $0xffff;
	v4 =	vadd.f32 v5, v4;
	v5 =	vmul.f32 v7, v51  }
0x7c: {  	v59 =	vor.u32 $0xB, v3;
	v7 =	vld.idx.msk [tilespmem:v52+s15+$0x0], $0xffff  }
0x7d: {  	v60 =	vld.idx.msk [tilespmem:v55+s14+$0x0], $0xffff;
	v4 =	vadd.f32 v5, v4;
	v5 =	vmul.f32 v54, v53  }
0x7e: {  	v62 =	vor.u32 $0xC, v3;
	v61 =	vld.idx.msk [tilespmem:v55+s15+$0x0], $0xffff  }
0x7f: {  	v63 =	vld.idx.msk [tilespmem:v57+s14+$0x0], $0xffff;
	v4 =	vadd.f32 v5, v4;
	v5 =	vmul.f32 v6, v56  }
0x80: {  	v18 =	vor.u32 $0xD, v3;
	v6 =	vld.idx.msk [tilespmem:v57+s15+$0x0], $0xffff  }
0x81: {  	v19 =	vld.idx.msk [tilespmem:v59+s14+$0x0], $0xffff;
	v4 =	vadd.f32 v5, v4;
	v5 =	vmul.f32 v7, v58  }
0x82: {  	v20 =	vor.u32 $0xE, v3;
	v7 =	vld.idx.msk [tilespmem:v59+s15+$0x0], $0xffff  }
0x83: {  	v21 =	vld.idx.msk [tilespmem:v62+s14+$0x0], $0xffff;
	v4 =	vadd.f32 v5, v4;
	v5 =	vmul.f32 v61, v60  }
0x84: {  	v23 =	vor.u32 $0xF, v3;
	v22 =	vld.idx.msk [tilespmem:v62+s15+$0x0], $0xffff  }
0x85: {  	v24 =	vld.idx.msk [tilespmem:v18+s14+$0x0], $0xffff;
	v4 =	vadd.f32 v5, v4;
	v5 =	vmul.f32 v6, v63  }
0x86: {  	v25 =	vor.u32 $0x10, v3;
	v6 =	vld.idx.msk [tilespmem:v18+s15+$0x0], $0xffff  }
0x87: {  	v26 =	vld.idx.msk [tilespmem:v20+s14+$0x0], $0xffff;
	v4 =	vadd.f32 v5, v4;
	v5 =	vmul.f32 v7, v19  }
0x88: {  	v27 =	vor.u32 $0x11, v3;
	v7 =	vld.idx.msk [tilespmem:v20+s15+$0x0], $0xffff  }
0x89: {  	v28 =	vld.idx.msk [tilespmem:v23+s14+$0x0], $0xffff;
	v4 =	vadd.f32 v5, v4;
	v5 =	vmul.f32 v22, v21  }
0x8a: {  	v30 =	vor.u32 $0x12, v3;
	v29 =	vld.idx.msk [tilespmem:v23+s15+$0x0], $0xffff  }
0x8b: {  	v31 =	vld.idx.msk [tilespmem:v25+s14+$0x0], $0xffff;
	v4 =	vadd.f32 v5, v4;
	v5 =	vmul.f32 v6, v24  }
0x8c: {  	v32 =	vor.u32 $0x13, v3;
	v6 =	vld.idx.msk [tilespmem:v25+s15+$0x0], $0xffff  }
0x8d: {  	v33 =	vld.idx.msk [tilespmem:v27+s14+$0x0], $0xffff;
	v4 =	vadd.f32 v5, v4;
	v5 =	vmul.f32 v7, v26  }
0x8e: {  	v34 =	vor.u32 $0x14, v3;
	v7 =	vld.idx.msk [tilespmem:v27+s15+$0x0], $0xffff  }
0x8f: {  	v35 =	vld.idx.msk [tilespmem:v30+s14+$0x0], $0xffff;
	v4 =	vadd.f32 v5, v4;
	v5 =	vmul.f32 v29, v28  }
0x90: {  	v37 =	vor.u32 $0x15, v3;
	v36 =	vld.idx.msk [tilespmem:v30+s15+$0x0], $0xffff  }
0x91: {  	v38 =	vld.idx.msk [tilespmem:v32+s14+$0x0], $0xffff;
	v4 =	vadd.f32 v5, v4;
	v5 =	vmul.f32 v6, v31  }
0x92: {  	v39 =	vor.u32 $0x16, v3;
	v6 =	vld.idx.msk [tilespmem:v32+s15+$0x0], $0xffff  }
0x93: {  	v40 =	vld.idx.msk [tilespmem:v34+s14+$0x0], $0xffff;
	v4 =	vadd.f32 v5, v4;
	v5 =	vmul.f32 v7, v33  }
0x94: {  	v41 =	vor.u32 $0x17, v3;
	v7 =	vld.idx.msk [tilespmem:v34+s15+$0x0], $0xffff  }
0x95: {  	v42 =	vld.idx.msk [tilespmem:v37+s14+$0x0], $0xffff;
	v4 =	vadd.f32 v5, v4;
	v5 =	vmul.f32 v36, v35  }
0x96: {  	v44 =	vor.u32 $0x18, v3;
	v43 =	vld.idx.msk [tilespmem:v37+s15+$0x0], $0xffff  }
0x97: {  	v45 =	vld.idx.msk [tilespmem:v39+s14+$0x0], $0xffff;
	v4 =	vadd.f32 v5, v4;
	v5 =	vmul.f32 v6, v38  }
0x98: {  	v46 =	vor.u32 $0x19, v3;
	v6 =	vld.idx.msk [tilespmem:v39+s15+$0x0], $0xffff  }
0x99: {  	v47 =	vld.idx.msk [tilespmem:v41+s14+$0x0], $0xffff;
	v4 =	vadd.f32 v5, v4;
	v5 =	vmul.f32 v7, v40  }
0x9a: {  	v48 =	vor.u32 $0x1A, v3;
	v7 =	vld.idx.msk [tilespmem:v41+s15+$0x0], $0xffff  }
0x9b: {  	v49 =	vld.idx.msk [tilespmem:v44+s14+$0x0], $0xffff;
	v4 =	vadd.f32 v5, v4;
	v5 =	vmul.f32 v43, v42  }
0x9c: {  	v50 =	vld.idx.msk [tilespmem:v44+s15+$0x0], $0xffff;
	v51 =	vor.u32 $0x1B, v3  }
0x9d: {  	v52 =	vld.idx.msk [tilespmem:v46+s14+$0x0], $0xffff;
	v4 =	vadd.f32 v5, v4;
	v5 =	vmul.f32 v6, v45  }
0x9e: {  	v53 =	vor.u32 $0x1C, v3;
	v6 =	vld.idx.msk [tilespmem:v46+s15+$0x0], $0xffff  }
0x9f: {  	v54 =	vld.idx.msk [tilespmem:v48+s14+$0x0], $0xffff;
	v4 =	vadd.f32 v5, v4;
	v5 =	vmul.f32 v7, v47  }
0xa0: {  	v55 =	vor.u32 $0x1D, v3;
	v7 =	vld.idx.msk [tilespmem:v48+s15+$0x0], $0xffff  }
0xa1: {  	v56 =	vld.idx.msk [tilespmem:v51+s14+$0x0], $0xffff;
	v4 =	vadd.f32 v5, v4;
	v5 =	vmul.f32 v50, v49  }
0xa2: {  	v57 =	vld.idx.msk [tilespmem:v51+s15+$0x0], $0xffff;
	v58 =	vor.u32 $0x1E, v3  }
0xa3: {  	v59 =	vld.idx.msk [tilespmem:v53+s14+$0x0], $0xffff;
	v4 =	vadd.f32 v5, v4;
	v5 =	vmul.f32 v6, v52  }
0xa4: {  	v3 =	vor.u32 $0x1F, v3;
	v6 =	vld.idx.msk [tilespmem:v53+s15+$0x0], $0xffff  }
0xa5: {  	v60 =	vld.idx.msk [tilespmem:v55+s14+$0x0], $0xffff;
	v4 =	vadd.f32 v5, v4;
	v5 =	vmul.f32 v7, v54  }
0xa6: {  	v7 =	vld.idx.msk [tilespmem:v55+s15+$0x0], $0xffff  }
0xa7: {  	v61 =	vld.idx.msk [tilespmem:v58+s14+$0x0], $0xffff;
	v4 =	vadd.f32 v5, v4;
	v5 =	vmul.f32 v57, v56  }
0xa8: {  	v62 =	vld.idx.msk [tilespmem:v58+s15+$0x0], $0xffff  }
0xa9: {  	v63 =	vld.idx.msk [tilespmem:v3+s14+$0x0], $0xffff;
	v4 =	vadd.f32 v5, v4;
	v5 =	vmul.f32 v6, v59  }
0xaa: {  	v3 =	vld.idx.msk [tilespmem:v3+s15+$0x0], $0xffff  }
0xab: {  	v4 =	vadd.f32 v5, v4;
	v5 =	vmul.f32 v7, v60;
	_ =	sdelay $0x1  }
0xac: {  	v4 =	vadd.f32 v5, v4;
	v5 =	vmul.f32 v62, v61;
	_ =	sdelay $0x1  }
0xad: {  	s26 =	simm.s32 $0x10;
	v6 =	vmul.f32 v3, v63;
	v5 =	vadd.f32 v5, v4  }
0xae: {  	v3 =	vor.u32 s26, v0  }
0xaf: {  	s26 =	simm.s32 $0x20;
	v4 =	vand.u32 v1, v3;
	v3 =	vshll.u32 v3, $0x5;
	v5 =	vadd.f32 v6, v5  }
.LBB2_2:
0xb0: {  	p0 =	sne.s32 s26, $0x1F0  }
0xb1: {  	v6 =	vor.u32 $0x1, v3;
	[tilespmem:v2+s22+$0x0] =	vst.idx.msk $0xffff, v5;
	v2 =	vmov v4  }
0xb2: {  	v5 =	vld.idx.msk [tilespmem:v4+s17+$0x0], $0xffff  }
0xb3: {  	v7 =	vor.u32 $0x2, v3;
	v4 =	vld.idx.msk [tilespmem:v4+s16+$0x0], $0xffff  }
0xb4: {  	v8 =	vld.idx.msk [tilespmem:v3+s14+$0x0], $0xffff  }
0xb5: {  	v10 =	vor.u32 $0x3, v3;
	v9 =	vld.idx.msk [tilespmem:v3+s15+$0x0], $0xffff  }
0xb6: {  	v11 =	vld.idx.msk [tilespmem:v6+s14+$0x0], $0xffff  }
0xb7: {  	v12 =	vor.u32 $0x4, v3;
	v6 =	vld.idx.msk [tilespmem:v6+s15+$0x0], $0xffff  }
0xb8: {  	v13 =	vld.idx.msk [tilespmem:v7+s14+$0x0], $0xffff  }
0xb9: {  	v14 =	vor.u32 $0x5, v3;
	v7 =	vld.idx.msk [tilespmem:v7+s15+$0x0], $0xffff  }
0xba: {  	v15 =	vld.idx.msk [tilespmem:v10+s14+$0x0], $0xffff  }
0xbb: {  	v4 =	vadd.f32 v5, v4;
	v5 =	vmul.f32 v9, v8;
	v9 =	vor.u32 $0x6, v3;
	v8 =	vld.idx.msk [tilespmem:v10+s15+$0x0], $0xffff  }
0xbc: {  	v10 =	vld.idx.msk [tilespmem:v12+s14+$0x0], $0xffff  }
0xbd: {  	v4 =	vadd.f32 v5, v4;
	v5 =	vmul.f32 v6, v11;
	v11 =	vor.u32 $0x7, v3;
	v6 =	vld.idx.msk [tilespmem:v12+s15+$0x0], $0xffff  }
0xbe: {  	v12 =	vld.idx.msk [tilespmem:v14+s14+$0x0], $0xffff  }
0xbf: {  	v4 =	vadd.f32 v5, v4;
	v5 =	vmul.f32 v7, v13;
	v13 =	vor.u32 $0x8, v3;
	v7 =	vld.idx.msk [tilespmem:v14+s15+$0x0], $0xffff  }
0xc0: {  	v14 =	vld.idx.msk [tilespmem:v9+s14+$0x0], $0xffff  }
0xc1: {  	v4 =	vadd.f32 v5, v4;
	v5 =	vmul.f32 v8, v15;
	v8 =	vld.idx.msk [tilespmem:v9+s15+$0x0], $0xffff;
	v9 =	vor.u32 $0x9, v3  }
0xc2: {  	v15 =	vld.idx.msk [tilespmem:v11+s14+$0x0], $0xffff  }
0xc3: {  	v4 =	vadd.f32 v5, v4;
	v5 =	vmul.f32 v6, v10;
	v10 =	vor.u32 $0xA, v3;
	v6 =	vld.idx.msk [tilespmem:v11+s15+$0x0], $0xffff  }
0xc4: {  	v11 =	vld.idx.msk [tilespmem:v13+s14+$0x0], $0xffff  }
0xc5: {  	v4 =	vadd.f32 v5, v4;
	v5 =	vmul.f32 v7, v12;
	v12 =	vor.u32 $0xB, v3;
	v7 =	vld.idx.msk [tilespmem:v13+s15+$0x0], $0xffff  }
0xc6: {  	v13 =	vld.idx.msk [tilespmem:v9+s14+$0x0], $0xffff  }
0xc7: {  	v4 =	vadd.f32 v5, v4;
	v5 =	vmul.f32 v8, v14;
	v8 =	vld.idx.msk [tilespmem:v9+s15+$0x0], $0xffff;
	v9 =	vor.u32 $0xC, v3  }
0xc8: {  	v14 =	vld.idx.msk [tilespmem:v10+s14+$0x0], $0xffff  }
0xc9: {  	v4 =	vadd.f32 v5, v4;
	v5 =	vmul.f32 v6, v15;
	v6 =	vld.idx.msk [tilespmem:v10+s15+$0x0], $0xffff;
	v10 =	vor.u32 $0xD, v3  }
0xca: {  	v15 =	vld.idx.msk [tilespmem:v12+s14+$0x0], $0xffff  }
0xcb: {  	v4 =	vadd.f32 v5, v4;
	v5 =	vmul.f32 v7, v11;
	v11 =	vor.u32 $0xE, v3;
	v7 =	vld.idx.msk [tilespmem:v12+s15+$0x0], $0xffff  }
0xcc: {  	v12 =	vld.idx.msk [tilespmem:v9+s14+$0x0], $0xffff  }
0xcd: {  	v4 =	vadd.f32 v5, v4;
	v5 =	vmul.f32 v8, v13;
	v8 =	vld.idx.msk [tilespmem:v9+s15+$0x0], $0xffff;
	v9 =	vor.u32 $0xF, v3  }
0xce: {  	v13 =	vld.idx.msk [tilespmem:v10+s14+$0x0], $0xffff  }
0xcf: {  	v4 =	vadd.f32 v5, v4;
	v5 =	vmul.f32 v6, v14;
	v6 =	vld.idx.msk [tilespmem:v10+s15+$0x0], $0xffff;
	v10 =	vor.u32 $0x10, v3  }
0xd0: {  	v14 =	vld.idx.msk [tilespmem:v11+s14+$0x0], $0xffff  }
0xd1: {  	v4 =	vadd.f32 v5, v4;
	v5 =	vmul.f32 v7, v15;
	v7 =	vld.idx.msk [tilespmem:v11+s15+$0x0], $0xffff;
	v11 =	vor.u32 $0x11, v3  }
0xd2: {  	v15 =	vld.idx.msk [tilespmem:v9+s14+$0x0], $0xffff  }
0xd3: {  	v4 =	vadd.f32 v5, v4;
	v5 =	vmul.f32 v8, v12;
	v8 =	vld.idx.msk [tilespmem:v9+s15+$0x0], $0xffff;
	v9 =	vor.u32 $0x12, v3  }
0xd4: {  	v12 =	vld.idx.msk [tilespmem:v10+s14+$0x0], $0xffff  }
0xd5: {  	v4 =	vadd.f32 v5, v4;
	v5 =	vmul.f32 v6, v13;
	v6 =	vld.idx.msk [tilespmem:v10+s15+$0x0], $0xffff;
	v10 =	vor.u32 $0x13, v3  }
0xd6: {  	v13 =	vld.idx.msk [tilespmem:v11+s14+$0x0], $0xffff  }
0xd7: {  	v4 =	vadd.f32 v5, v4;
	v5 =	vmul.f32 v7, v14;
	v7 =	vld.idx.msk [tilespmem:v11+s15+$0x0], $0xffff;
	v11 =	vor.u32 $0x14, v3  }
0xd8: {  	v14 =	vld.idx.msk [tilespmem:v9+s14+$0x0], $0xffff  }
0xd9: {  	v4 =	vadd.f32 v5, v4;
	v5 =	vmul.f32 v8, v15;
	v8 =	vld.idx.msk [tilespmem:v9+s15+$0x0], $0xffff;
	v9 =	vor.u32 $0x15, v3  }
0xda: {  	v15 =	vld.idx.msk [tilespmem:v10+s14+$0x0], $0xffff  }
0xdb: {  	v4 =	vadd.f32 v5, v4;
	v5 =	vmul.f32 v6, v12;
	v6 =	vld.idx.msk [tilespmem:v10+s15+$0x0], $0xffff;
	v10 =	vor.u32 $0x16, v3  }
0xdc: {  	v12 =	vld.idx.msk [tilespmem:v11+s14+$0x0], $0xffff  }
0xdd: {  	v4 =	vadd.f32 v5, v4;
	v5 =	vmul.f32 v7, v13;
	v7 =	vld.idx.msk [tilespmem:v11+s15+$0x0], $0xffff;
	v11 =	vor.u32 $0x17, v3  }
0xde: {  	v13 =	vld.idx.msk [tilespmem:v9+s14+$0x0], $0xffff  }
0xdf: {  	v4 =	vadd.f32 v5, v4;
	v5 =	vmul.f32 v8, v14;
	v8 =	vld.idx.msk [tilespmem:v9+s15+$0x0], $0xffff;
	v9 =	vor.u32 $0x18, v3  }
0xe0: {  	v14 =	vld.idx.msk [tilespmem:v10+s14+$0x0], $0xffff  }
0xe1: {  	v4 =	vadd.f32 v5, v4;
	v5 =	vmul.f32 v6, v15;
	v6 =	vld.idx.msk [tilespmem:v10+s15+$0x0], $0xffff;
	v10 =	vor.u32 $0x19, v3  }
0xe2: {  	v15 =	vld.idx.msk [tilespmem:v11+s14+$0x0], $0xffff  }
0xe3: {  	v4 =	vadd.f32 v5, v4;
	v5 =	vmul.f32 v7, v12;
	v7 =	vld.idx.msk [tilespmem:v11+s15+$0x0], $0xffff;
	v11 =	vor.u32 $0x1A, v3  }
0xe4: {  	v12 =	vld.idx.msk [tilespmem:v9+s14+$0x0], $0xffff  }
0xe5: {  	v4 =	vadd.f32 v5, v4;
	v5 =	vmul.f32 v8, v13;
	v8 =	vld.idx.msk [tilespmem:v9+s15+$0x0], $0xffff;
	v9 =	vor.u32 $0x1B, v3  }
0xe6: {  	v13 =	vld.idx.msk [tilespmem:v10+s14+$0x0], $0xffff  }
0xe7: {  	v4 =	vadd.f32 v5, v4;
	v5 =	vmul.f32 v6, v14;
	v6 =	vld.idx.msk [tilespmem:v10+s15+$0x0], $0xffff;
	v10 =	vor.u32 $0x1C, v3  }
0xe8: {  	v14 =	vld.idx.msk [tilespmem:v11+s14+$0x0], $0xffff  }
0xe9: {  	v4 =	vadd.f32 v5, v4;
	v5 =	vmul.f32 v7, v15;
	v7 =	vld.idx.msk [tilespmem:v11+s15+$0x0], $0xffff;
	v11 =	vor.u32 $0x1D, v3  }
0xea: {  	v15 =	vld.idx.msk [tilespmem:v9+s14+$0x0], $0xffff  }
0xeb: {  	v4 =	vadd.f32 v5, v4;
	v5 =	vmul.f32 v8, v12;
	v8 =	vld.idx.msk [tilespmem:v9+s15+$0x0], $0xffff;
	v9 =	vor.u32 $0x1E, v3  }
0xec: {  	v12 =	vld.idx.msk [tilespmem:v10+s14+$0x0], $0xffff  }
0xed: {  	v3 =	vor.u32 $0x1F, v3;
	v4 =	vadd.f32 v5, v4;
	v5 =	vmul.f32 v6, v13;
	v6 =	vld.idx.msk [tilespmem:v10+s15+$0x0], $0xffff  }
0xee: {  	v10 =	vld.idx.msk [tilespmem:v11+s14+$0x0], $0xffff  }
0xef: {  	v4 =	vadd.f32 v5, v4;
	v5 =	vmul.f32 v7, v14;
	v7 =	vld.idx.msk [tilespmem:v11+s15+$0x0], $0xffff  }
0xf0: {  	v11 =	vld.idx.msk [tilespmem:v9+s14+$0x0], $0xffff  }
0xf1: {  	v4 =	vadd.f32 v5, v4;
	v5 =	vmul.f32 v8, v15;
	v8 =	vld.idx.msk [tilespmem:v9+s15+$0x0], $0xffff  }
0xf2: {  	v9 =	vld.idx.msk [tilespmem:v3+s14+$0x0], $0xffff  }
0xf3: {  	v4 =	vadd.f32 v5, v4;
	v5 =	vmul.f32 v6, v12;
	v3 =	vld.idx.msk [tilespmem:v3+s15+$0x0], $0xffff;
	_ =	sdelay $0x1  }
0xf4: {  	v4 =	vadd.f32 v5, v4;
	v5 =	vmul.f32 v7, v10;
	_ =	sdelay $0x1  }
.Ltmp0:
0xf5: {  	v5 =	vadd.f32 v5, v4;
	v6 =	vmul.f32 v8, v11;
	(pc) =	sbr.rel @p0 .LBB2_2-.Ltmp0, $3  }
0xf6: {  	v7 =	vor.u32 s26, v0  }
0xf7: {  	v4 =	vand.u32 v1, v7;
	v5 =	vadd.f32 v6, v5;
	v6 =	vmul.f32 v3, v9;
	_ =	sdelay $0x1  }
0xf8: {  	s26 =	sadd.s32 $0x10, s26;
	v3 =	vshll.u32 v7, $0x5;
	v5 =	vadd.f32 v6, v5  }
0xf9: {  	_ =	sdelay $0x3  }
0xfa: {  	v6 =	vor.u32 $0x1, v3;
	[tilespmem:v2+s22+$0x0] =	vst.idx.msk $0xffff, v5  }
0xfb: {  	v2 =	vld.idx.msk [tilespmem:v4+s17+$0x0], $0xffff  }
0xfc: {  	v7 =	vor.u32 $0x2, v3;
	v5 =	vld.idx.msk [tilespmem:v4+s16+$0x0], $0xffff  }
0xfd: {  	v8 =	vld.idx.msk [tilespmem:v3+s14+$0x0], $0xffff  }
0xfe: {  	v10 =	vor.u32 $0x3, v3;
	v9 =	vld.idx.msk [tilespmem:v3+s15+$0x0], $0xffff  }
0xff: {  	v11 =	vld.idx.msk [tilespmem:v6+s14+$0x0], $0xffff  }
0x100: {  	v12 =	vor.u32 $0x4, v3;
	v6 =	vld.idx.msk [tilespmem:v6+s15+$0x0], $0xffff  }
0x101: {  	v13 =	vld.idx.msk [tilespmem:v7+s14+$0x0], $0xffff  }
0x102: {  	v14 =	vor.u32 $0x5, v3;
	v7 =	vld.idx.msk [tilespmem:v7+s15+$0x0], $0xffff  }
0x103: {  	v15 =	vld.idx.msk [tilespmem:v10+s14+$0x0], $0xffff;
	v2 =	vadd.f32 v2, v5;
	v48 =	vmul.f32 v9, v8  }
0x104: {  	v50 =	vor.u32 $0x6, v3;
	v49 =	vld.idx.msk [tilespmem:v10+s15+$0x0], $0xffff  }
0x105: {  	v51 =	vld.idx.msk [tilespmem:v12+s14+$0x0], $0xffff;
	v2 =	vadd.f32 v48, v2;
	v52 =	vmul.f32 v6, v11  }
0x106: {  	v54 =	vor.u32 $0x7, v3;
	v53 =	vld.idx.msk [tilespmem:v12+s15+$0x0], $0xffff  }
0x107: {  	v55 =	vld.idx.msk [tilespmem:v14+s14+$0x0], $0xffff;
	v56 =	vmul.f32 v7, v13;
	v2 =	vadd.f32 v52, v2  }
0x108: {  	v58 =	vor.u32 $0x8, v3;
	v57 =	vld.idx.msk [tilespmem:v14+s15+$0x0], $0xffff  }
0x109: {  	v59 =	vld.idx.msk [tilespmem:v50+s14+$0x0], $0xffff;
	v60 =	vmul.f32 v49, v15;
	v2 =	vadd.f32 v56, v2  }
0x10a: {  	v62 =	vor.u32 $0x9, v3;
	v61 =	vld.idx.msk [tilespmem:v50+s15+$0x0], $0xffff  }
0x10b: {  	v63 =	vld.idx.msk [tilespmem:v54+s14+$0x0], $0xffff;
	v16 =	vmul.f32 v53, v51;
	v2 =	vadd.f32 v60, v2  }
0x10c: {  	v18 =	vor.u32 $0xA, v3;
	v17 =	vld.idx.msk [tilespmem:v54+s15+$0x0], $0xffff  }
0x10d: {  	v19 =	vld.idx.msk [tilespmem:v58+s14+$0x0], $0xffff;
	v20 =	vmul.f32 v57, v55;
	v2 =	vadd.f32 v16, v2  }
0x10e: {  	v22 =	vor.u32 $0xB, v3;
	v21 =	vld.idx.msk [tilespmem:v58+s15+$0x0], $0xffff  }
0x10f: {  	v23 =	vld.idx.msk [tilespmem:v62+s14+$0x0], $0xffff;
	v24 =	vmul.f32 v61, v59;
	v2 =	vadd.f32 v20, v2  }
0x110: {  	v26 =	vor.u32 $0xC, v3;
	v25 =	vld.idx.msk [tilespmem:v62+s15+$0x0], $0xffff  }
0x111: {  	v27 =	vld.idx.msk [tilespmem:v18+s14+$0x0], $0xffff;
	v28 =	vmul.f32 v17, v63;
	v2 =	vadd.f32 v24, v2  }
0x112: {  	v30 =	vor.u32 $0xD, v3;
	v29 =	vld.idx.msk [tilespmem:v18+s15+$0x0], $0xffff  }
0x113: {  	v31 =	vld.idx.msk [tilespmem:v22+s14+$0x0], $0xffff;
	v32 =	vmul.f32 v21, v19;
	v2 =	vadd.f32 v28, v2  }
0x114: {  	v34 =	vor.u32 $0xE, v3;
	v33 =	vld.idx.msk [tilespmem:v22+s15+$0x0], $0xffff  }
0x115: {  	v35 =	vld.idx.msk [tilespmem:v26+s14+$0x0], $0xffff;
	v36 =	vmul.f32 v25, v23;
	v2 =	vadd.f32 v32, v2  }
0x116: {  	v38 =	vor.u32 $0xF, v3;
	v37 =	vld.idx.msk [tilespmem:v26+s15+$0x0], $0xffff  }
0x117: {  	v39 =	vld.idx.msk [tilespmem:v30+s14+$0x0], $0xffff;
	v40 =	vmul.f32 v29, v27;
	v2 =	vadd.f32 v36, v2  }
0x118: {  	v42 =	vor.u32 $0x10, v3;
	v41 =	vld.idx.msk [tilespmem:v30+s15+$0x0], $0xffff  }
0x119: {  	v43 =	vld.idx.msk [tilespmem:v34+s14+$0x0], $0xffff;
	v44 =	vmul.f32 v33, v31;
	v2 =	vadd.f32 v40, v2  }
0x11a: {  	v46 =	vor.u32 $0x11, v3;
	v45 =	vld.idx.msk [tilespmem:v34+s15+$0x0], $0xffff  }
0x11b: {  	v47 =	vld.idx.msk [tilespmem:v38+s14+$0x0], $0xffff;
	v48 =	vmul.f32 v37, v35;
	v2 =	vadd.f32 v44, v2  }
0x11c: {  	v50 =	vor.u32 $0x12, v3;
	v49 =	vld.idx.msk [tilespmem:v38+s15+$0x0], $0xffff  }
0x11d: {  	v51 =	vld.idx.msk [tilespmem:v42+s14+$0x0], $0xffff;
	v52 =	vmul.f32 v41, v39;
	v2 =	vadd.f32 v48, v2  }
0x11e: {  	v54 =	vor.u32 $0x13, v3;
	v53 =	vld.idx.msk [tilespmem:v42+s15+$0x0], $0xffff  }
0x11f: {  	v55 =	vld.idx.msk [tilespmem:v46+s14+$0x0], $0xffff;
	v56 =	vmul.f32 v45, v43;
	v2 =	vadd.f32 v52, v2  }
0x120: {  	v58 =	vor.u32 $0x14, v3;
	v57 =	vld.idx.msk [tilespmem:v46+s15+$0x0], $0xffff  }
0x121: {  	v59 =	vld.idx.msk [tilespmem:v50+s14+$0x0], $0xffff;
	v60 =	vmul.f32 v49, v47;
	v2 =	vadd.f32 v56, v2  }
0x122: {  	v62 =	vor.u32 $0x15, v3;
	v61 =	vld.idx.msk [tilespmem:v50+s15+$0x0], $0xffff  }
0x123: {  	v63 =	vld.idx.msk [tilespmem:v54+s14+$0x0], $0xffff;
	v16 =	vmul.f32 v53, v51;
	v2 =	vadd.f32 v60, v2  }
0x124: {  	v18 =	vor.u32 $0x16, v3;
	v17 =	vld.idx.msk [tilespmem:v54+s15+$0x0], $0xffff  }
0x125: {  	v19 =	vld.idx.msk [tilespmem:v58+s14+$0x0], $0xffff;
	v20 =	vmul.f32 v57, v55;
	v2 =	vadd.f32 v16, v2  }
0x126: {  	v22 =	vor.u32 $0x17, v3;
	v21 =	vld.idx.msk [tilespmem:v58+s15+$0x0], $0xffff  }
0x127: {  	v23 =	vld.idx.msk [tilespmem:v62+s14+$0x0], $0xffff;
	v24 =	vmul.f32 v61, v59;
	v2 =	vadd.f32 v20, v2  }
0x128: {  	v26 =	vor.u32 $0x18, v3;
	v25 =	vld.idx.msk [tilespmem:v62+s15+$0x0], $0xffff  }
0x129: {  	v27 =	vld.idx.msk [tilespmem:v18+s14+$0x0], $0xffff;
	v28 =	vmul.f32 v17, v63;
	v2 =	vadd.f32 v24, v2  }
0x12a: {  	v30 =	vor.u32 $0x19, v3;
	v29 =	vld.idx.msk [tilespmem:v18+s15+$0x0], $0xffff  }
0x12b: {  	v31 =	vld.idx.msk [tilespmem:v22+s14+$0x0], $0xffff;
	v32 =	vmul.f32 v21, v19;
	v2 =	vadd.f32 v28, v2  }
0x12c: {  	v34 =	vor.u32 $0x1A, v3;
	v33 =	vld.idx.msk [tilespmem:v22+s15+$0x0], $0xffff  }
0x12d: {  	v35 =	vld.idx.msk [tilespmem:v26+s14+$0x0], $0xffff;
	v36 =	vmul.f32 v25, v23;
	v2 =	vadd.f32 v32, v2  }
0x12e: {  	v37 =	vld.idx.msk [tilespmem:v26+s15+$0x0], $0xffff;
	v38 =	vor.u32 $0x1B, v3  }
0x12f: {  	v39 =	vld.idx.msk [tilespmem:v30+s14+$0x0], $0xffff;
	v40 =	vmul.f32 v29, v27;
	v2 =	vadd.f32 v36, v2  }
0x130: {  	v42 =	vor.u32 $0x1C, v3;
	v41 =	vld.idx.msk [tilespmem:v30+s15+$0x0], $0xffff  }
0x131: {  	v43 =	vld.idx.msk [tilespmem:v34+s14+$0x0], $0xffff;
	v44 =	vmul.f32 v33, v31;
	v2 =	vadd.f32 v40, v2  }
0x132: {  	v46 =	vor.u32 $0x1D, v3;
	v45 =	vld.idx.msk [tilespmem:v34+s15+$0x0], $0xffff  }
0x133: {  	v47 =	vld.idx.msk [tilespmem:v38+s14+$0x0], $0xffff;
	v48 =	vmul.f32 v37, v35;
	v2 =	vadd.f32 v44, v2  }
0x134: {  	v50 =	vor.u32 $0x1E, v3;
	v49 =	vld.idx.msk [tilespmem:v38+s15+$0x0], $0xffff  }
0x135: {  	v51 =	vld.idx.msk [tilespmem:v42+s14+$0x0], $0xffff;
	v52 =	vmul.f32 v41, v39;
	v2 =	vadd.f32 v48, v2  }
0x136: {  	v3 =	vor.u32 $0x1F, v3;
	v53 =	vld.idx.msk [tilespmem:v42+s15+$0x0], $0xffff  }
0x137: {  	v54 =	vld.idx.msk [tilespmem:v46+s14+$0x0], $0xffff;
	v55 =	vmul.f32 v45, v43;
	v2 =	vadd.f32 v52, v2  }
0x138: {  	v56 =	vld.idx.msk [tilespmem:v46+s15+$0x0], $0xffff  }
0x139: {  	v57 =	vld.idx.msk [tilespmem:v50+s14+$0x0], $0xffff;
	v58 =	vmul.f32 v49, v47;
	v2 =	vadd.f32 v55, v2  }
0x13a: {  	v59 =	vld.idx.msk [tilespmem:v50+s15+$0x0], $0xffff  }
0x13b: {  	v61 =	vmul.f32 v53, v51;
	v60 =	vld.idx.msk [tilespmem:v3+s14+$0x0], $0xffff;
	v2 =	vadd.f32 v58, v2  }
0x13c: {  	v3 =	vld.idx.msk [tilespmem:v3+s15+$0x0], $0xffff  }
0x13d: {  	v62 =	vmul.f32 v56, v54;
	v2 =	vadd.f32 v61, v2;
	_ =	sdelay $0x1  }
0x13e: {  	v63 =	vmul.f32 v59, v57;
	v2 =	vadd.f32 v62, v2;
	_ =	sdelay $0x1  }
0x13f: {  	v3 =	vmul.f32 v3, v60;
	v2 =	vadd.f32 v63, v2;
	_ =	sdelay $0x1  }
0x140: {  	s24 =	sadd.s32 $0x1, s24;
	v2 =	vadd.f32 v3, v2  }
0x141: {  	p0 =	sne.s32 s24, s10  }
.Ltmp1:
0x142: {  	[tilespmem:v4+s22+$0x0] =	vst.idx.msk $0xffff, v2;
	(pc) =	sbr.rel @p0 .LBB2_1-.Ltmp1, $4  }
0x143: {  	[hbm4b:s9+s2] =	stream.linear.scatter [tilespmem:s22], [sflag:$0x2], $0x200, $0x38;
	[tilespmem:$0x8A00] =	vst v63  }
0x144: {  	_ =	swait.ge [sflag:s11], $0x200  }
0x145: {  	[sflag:s11] =	ssyncset.done $0x0  }
0x146: {  	[sflag:s11] =	ssyncadd.s32 $0xFFFFFE00  }
0x147: {  	_ =	sfence.sel $0x180000  }
0x148: {  	[bflag:$0x0] =	sbarrier.arrive $0xFFFF  }
0x149: {  	_ =	strace $0x90000047  }
0x14a: {  	s0 =	stileid.u32;
	[bflag:$0x2] =	sbarrier.arrive $0xFFFF  }
0x14b: {  	p0 =	sne.s32 s0, $0x0;
	s0 =	rddreg [dreg:$0x4]  }
0x14c: {  	s0 =	sadd.s32 @!p0 $0x100000, s0  }
0x14d: {  	[sflag:s0] =	ssyncadd.tile.s32 @!p0 $0x1;
	_ =	shalt  }
.Lfunc_end2:
_tile_overlayer_lowered:
.L_overlay_start_2:
0x14e: {  	(tag) =	ssettag $0x2  }
0x14f: {  	s0 =	rddreg [dreg:$0x0];
	s2 =	stileid.u32  }
0x150: {  	s1 =	rddreg [dreg:$0x1];
	p0 =	sne.s32 s2, $0x0  }
0x151: {  	s3 =	rddreg [dreg:$0x2];
	[bflag:$0x3] =	sbarrier.arrive $0xFFFF;
	s2 =	simm.s32 @!p0 $0x1C02  }
0x152: {  	[timem:s3], [sflag:s2] =	dma.local @!p0 [hbm:s0], s1  }
0x153: {  	s0 =	simm.s32 @!p0 $0x2  }
0x154: {  	_ =	swait.ge @!p0 [sflag:s0], s1  }
0x155: {  	s1 =	ssub.s32 @!p0 $0x0, s1;
	[sflag:s0] =	ssyncset.done @!p0 $0x0  }
0x156: {  	[sflag:s0] =	ssyncadd.s32 @!p0 s1  }
0x157: {  	[bflag:$0x3] =	sbarrier.arrive $0xFFFF  }
0x158: {  	_ =	shalt  }

</sc_bundles>
